<compile_context>
chip_gen: v7x
topology: tpu7x:2x2x1
jax: 0.10.2.dev20260603
libtpu: 0.0.44.dev20260713+nightly
codegen_flags: <defaults>
</compile_context>

<pallas_src>
import functools

import jax
import jax.numpy as jnp
from jax import lax
from jax.experimental import pallas as pl
from jax.experimental.pallas import tpu as pltpu
from jax.experimental.pallas import tpu_sc as plsc

N = 10000
D = 128
G = 64
BN_EPS = 1e-5

NC = 2
NS = 16
NW = NC * NS

K = 128
EC = 80
NB = 2
IB = 40
NBLK = EC // IB
E_PAD = NW * EC * K
NP = 10240
RPS = NP // NS
ZR = 32


@functools.cache
def _make_sc_scatter():
    mesh = plsc.VectorSubcoreMesh(core_axis_name="c", subcore_axis_name="s",
                                  num_cores=NC, num_subcores=NS)

    @functools.partial(
        pl.kernel,
        out_type=jax.ShapeDtypeStruct((NC, NP, D), jnp.float32),
        mesh=mesh,
        scratch_types=[
            pltpu.VMEM((IB, K), jnp.int32),
            pltpu.VMEM((IB, K), jnp.int32),
            pltpu.VMEM((NB, K, D), jnp.float32),
            pltpu.VMEM_SHARED((NP, D), jnp.float32),
            pltpu.SemaphoreType.DMA,
            pltpu.SemaphoreType.DMA,
            pltpu.SemaphoreType.DMA,
            pltpu.SemaphoreType.DMA,
            pltpu.SemaphoreType.DMA,
        ],
    )
    def _sc_scatter(h_hbm, row_hbm, col_hbm, out_hbm,
                    row_v, col_v, ring_v, agg_sh,
                    g0, g1, s0, s1, zsem):
        cid = lax.axis_index("c")
        sid = lax.axis_index("s")
        wid = sid * NC + cid
        gsem = (g0, g1)
        ssem = (s0, s1)

        def _zfill(i, _):
            ring_v[0, i // 8, pl.ds((i % 8) * 16, 16)] = jnp.zeros(
                (16,), jnp.float32)
            return ()
        lax.fori_loop(0, ZR * 8, _zfill, ())

        def _zinit(j, _):
            pltpu.async_copy(ring_v.at[0, pl.ds(0, ZR)],
                             agg_sh.at[pl.ds(sid * RPS + j * ZR, ZR)], zsem)
            return ()
        lax.fori_loop(0, RPS // ZR, _zinit, ())

        def _zdrain(j, _):
            pltpu.make_async_copy(
                ring_v.at[0, pl.ds(0, ZR)],
                agg_sh.at[pl.ds(sid * RPS, ZR)], zsem).wait()
            return ()
        lax.fori_loop(0, RPS // ZR, _zdrain, ())
        plsc.subcore_barrier()

        def _block(blk, _):
            pltpu.sync_copy(row_hbm.at[wid, blk], row_v)
            pltpu.sync_copy(col_hbm.at[wid, blk], col_v)
            for b in range(NB):
                pltpu.async_copy(h_hbm.at[col_v.at[b]], ring_v.at[b],
                                 gsem[b])

            def _group(g, _):
                for b in range(NB):
                    k = g * NB + b
                    pltpu.make_async_copy(h_hbm.at[col_v.at[k]],
                                          ring_v.at[b], gsem[b]).wait()
                    pltpu.async_copy(ring_v.at[b], agg_sh.at[row_v.at[k]],
                                     ssem[b], add=True)
                    pltpu.make_async_copy(ring_v.at[b],
                                          agg_sh.at[row_v.at[k]],
                                          ssem[b]).wait()
                    pltpu.async_copy(h_hbm.at[col_v.at[k + NB]],
                                     ring_v.at[b], gsem[b])
                return ()
            lax.fori_loop(0, IB // NB - 1, _group, ())
            for b in range(NB):
                k = IB - NB + b
                pltpu.make_async_copy(h_hbm.at[col_v.at[k]], ring_v.at[b],
                                      gsem[b]).wait()
                pltpu.async_copy(ring_v.at[b], agg_sh.at[row_v.at[k]],
                                 ssem[b], add=True)
                pltpu.make_async_copy(ring_v.at[b], agg_sh.at[row_v.at[k]],
                                      ssem[b]).wait()
            return ()
        lax.fori_loop(0, NBLK, _block, ())
        plsc.subcore_barrier()

        pltpu.sync_copy(agg_sh.at[pl.ds(sid * RPS, RPS)],
                        out_hbm.at[cid, pl.ds(sid * RPS, RPS)])

    return _sc_scatter


def _lin1_body(x_ref, w_ref, b_ref, o_ref):
    h = jnp.dot(x_ref[...], w_ref[...],
                preferred_element_type=jnp.float32,
                precision=lax.Precision.HIGHEST) + b_ref[...]
    o_ref[...] = h * jax.nn.sigmoid(h)


def _combine_body(h_ref, agg_ref, batch_ref, eps_ref,
                  w1_ref, b1_ref, w2_ref, b2_ref,
                  fw1_ref, fb1_ref, fw2_ref, fb2_ref, fw3_ref, fb3_ref,
                  o_ref, acc_ref):
    i = pl.program_id(0)
    t = (1.0 + eps_ref[0, 0]) * h_ref[...] + agg_ref[0] + agg_ref[1]
    r = jnp.maximum(
        jnp.dot(t, w1_ref[...], preferred_element_type=jnp.float32,
                precision=lax.Precision.HIGHEST) + b1_ref[...], 0.0)
    xg = jnp.dot(r, w2_ref[...], preferred_element_type=jnp.float32,
                 precision=lax.Precision.HIGHEST) + b2_ref[...]
    b = batch_ref[0, 0, :]
    onehot = (b[:, None] == lax.broadcasted_iota(jnp.int32, (1, G), 1)
              ).astype(jnp.float32)
    seg = lax.dot_general(onehot, xg, (((0,), (0,)), ((), ())),
                          preferred_element_type=jnp.float32,
                          precision=lax.Precision.HIGHEST)

    @pl.when(i == 0)
    def _():
        acc_ref[...] = jnp.zeros_like(acc_ref)

    acc = acc_ref[...] + seg
    acc_ref[...] = acc

    @pl.when(i == pl.num_programs(0) - 1)
    def _():
        def leaky(v):
            return jnp.where(v >= 0, v, 0.01 * v)
        z = leaky(jnp.dot(acc, fw1_ref[...], preferred_element_type=jnp.float32,
                          precision=lax.Precision.HIGHEST) + fb1_ref[...])
        z = leaky(jnp.dot(z, fw2_ref[...], preferred_element_type=jnp.float32,
                          precision=lax.Precision.HIGHEST) + fb2_ref[...])
        o = lax.dot_general(fw3_ref[...], z, (((1,), (1,)), ((), ())),
                            preferred_element_type=jnp.float32,
                            precision=lax.Precision.HIGHEST)
        o_ref[...] = o + fb3_ref[...]


def kernel(x, pos, edge_index_intra, edge_index_inter, batch, params):
    del pos
    f32 = jnp.float32
    RB = 1000
    grid = N // RB

    h = pl.pallas_call(
        _lin1_body,
        grid=(grid,),
        in_specs=[
            pl.BlockSpec((RB, D), lambda i: (i, 0)),
            pl.BlockSpec((D, D), lambda i: (0, 0)),
            pl.BlockSpec((1, D), lambda i: (0, 0)),
        ],
        out_specs=pl.BlockSpec((RB, D), lambda i: (i, 0)),
        out_shape=jax.ShapeDtypeStruct((N, D), f32),
    )(x, params["lin1_w"], params["lin1_b"].reshape(1, D))

    row = jnp.concatenate([edge_index_intra[0], edge_index_inter[0]])
    col = jnp.concatenate([edge_index_intra[1], edge_index_inter[1]])
    pad = E_PAD - row.shape[0]
    dummy_rows = N + jnp.arange(pad, dtype=jnp.int32) % (NP - N)
    row3 = jnp.concatenate([row, dummy_rows]).reshape(NW, NBLK, IB, K)
    col3 = jnp.concatenate([col, jnp.zeros((pad,), jnp.int32)]
                           ).reshape(NW, NBLK, IB, K)
    agg2 = _make_sc_scatter()(h, row3, col3)

    lp = params["gin"][-1]
    fc = params["fc"]
    s1 = fc["g1"] / jnp.sqrt(1.0 + BN_EPS)
    s2 = fc["g2"] / jnp.sqrt(1.0 + BN_EPS)
    fw2 = s1[:, None] * fc["w2"]
    fb2 = (fc["be1"] @ fc["w2"] + fc["b2"]).reshape(1, D)
    fw3 = (s2[:, None] * fc["w3"]).reshape(1, D)
    fb3 = (fc["be2"] @ fc["w3"] + fc["b3"]).reshape(1, 1)

    out = pl.pallas_call(
        _combine_body,
        grid=(grid,),
        in_specs=[
            pl.BlockSpec((RB, D), lambda i: (i, 0)),
            pl.BlockSpec((NC, RB, D), lambda i: (0, i, 0)),
            pl.BlockSpec((1, 1, RB), lambda i: (i, 0, 0)),
            pl.BlockSpec((1, 1), lambda i: (0, 0)),
            pl.BlockSpec((D, D), lambda i: (0, 0)),
            pl.BlockSpec((1, D), lambda i: (0, 0)),
            pl.BlockSpec((D, D), lambda i: (0, 0)),
            pl.BlockSpec((1, D), lambda i: (0, 0)),
            pl.BlockSpec((D, D), lambda i: (0, 0)),
            pl.BlockSpec((1, D), lambda i: (0, 0)),
            pl.BlockSpec((D, D), lambda i: (0, 0)),
            pl.BlockSpec((1, D), lambda i: (0, 0)),
            pl.BlockSpec((1, D), lambda i: (0, 0)),
            pl.BlockSpec((1, 1), lambda i: (0, 0)),
        ],
        out_specs=pl.BlockSpec((1, G), lambda i: (0, 0)),
        out_shape=jax.ShapeDtypeStruct((1, G), f32),
        scratch_shapes=[pltpu.VMEM((G, D), f32)],
    )(h, agg2, batch.reshape(grid, 1, RB), lp["eps"].reshape(1, 1),
      lp["w1"], lp["b1"].reshape(1, D), lp["w2"], lp["b2"].reshape(1, D),
      fc["w1"], fc["b1"].reshape(1, D), fw2, fb2, fw3, fb3)
    return out.reshape(-1)

# --- scband reference (transcript-rebuilt; emitter-appended) ---
"""Pipeline reference for scband-my-gin-87222195848274 (READ-ONLY COPY).

The authoritative reference and input builder live on the scoring server;
editing this copy changes nothing except your own understanding.
"""

import jax, jax.numpy as jnp
import numpy as np

N = 10000
D = 128
H = 128
E = 160000
G = 64
NUM_GIN_LAYERS = 3
BN_EPS = 1e-5


def setup_inputs(seed: int = 0) -> dict:
    key = jax.random.key(seed)
    ks = jax.random.split(key, 40)
    x = jax.random.normal(ks[0], (N, D), dtype=jnp.float32)
    pos = jax.random.normal(ks[1], (N, 3), dtype=jnp.float32)
    edge_index_intra = jax.random.randint(ks[2], (2, E), 0, N, dtype=jnp.int32)
    edge_index_inter = jax.random.randint(ks[3], (2, E), 0, N, dtype=jnp.int32)
    batch = jnp.sort(jax.random.randint(ks[4], (N,), 0, G, dtype=jnp.int32))
    s = 0.05
    gin_layers = []
    for i in range(NUM_GIN_LAYERS):
        gin_layers.append({
            'eps': jnp.array([1.0], dtype=jnp.float32),  # eps=True in torch -> 1.0 parameter
            'w1': jax.random.normal(ks[5 + 4 * i], (H, H), dtype=jnp.float32) * s,
            'b1': jnp.zeros((H,), dtype=jnp.float32),
            'w2': jax.random.normal(ks[6 + 4 * i], (H, H), dtype=jnp.float32) * s,
            'b2': jnp.zeros((H,), dtype=jnp.float32),
        })
    params = {
        'lin1_w': jax.random.normal(ks[20], (D, H), dtype=jnp.float32) * s,
        'lin1_b': jnp.zeros((H,), dtype=jnp.float32),
        'gin': gin_layers,
        'fc': {
            'w1': jax.random.normal(ks[21], (H, H), dtype=jnp.float32) * s,
            'b1': jnp.zeros((H,), dtype=jnp.float32),
            'g1': jnp.ones((H,), dtype=jnp.float32),
            'be1': jnp.zeros((H,), dtype=jnp.float32),
            'w2': jax.random.normal(ks[22], (H, H), dtype=jnp.float32) * s,
            'b2': jnp.zeros((H,), dtype=jnp.float32),
            'g2': jnp.ones((H,), dtype=jnp.float32),
            'be2': jnp.zeros((H,), dtype=jnp.float32),
            'w3': jax.random.normal(ks[23], (H, 1), dtype=jnp.float32) * s,
            'b3': jnp.zeros((1,), dtype=jnp.float32),
        },
    }
    return {'x': x, 'pos': pos, 'edge_index_intra': edge_index_intra,
            'edge_index_inter': edge_index_inter, 'batch': batch, 'params': params}


def _leaky_relu(h):
    return jnp.where(h >= 0, h, 0.01 * h)


def _bn_eval(h, gamma, beta):
    # eval-mode BatchNorm1d with running_mean=0, running_var=1
    return h / jnp.sqrt(1.0 + BN_EPS) * gamma + beta


def _forward(x, params, edge_index, batch):
    # lin1: Linear + SiLU
    h = x @ params['lin1_w'] + params['lin1_b']
    h = h * jax.nn.sigmoid(h)
    row = edge_index[0]
    col = edge_index[1]
    x_gin = h
    # faithful to torch: every layer consumes x_lin (h); only last result kept
    for lp in params['gin']:
        agg = jnp.zeros_like(h).at[row].add(h[col])
        out = (1.0 + lp['eps']) * h + agg
        out = jnp.maximum(out @ lp['w1'] + lp['b1'], 0.0)
        x_gin = out @ lp['w2'] + lp['b2']
    # global_add_pool
    g = jax.ops.segment_sum(x_gin, batch, num_segments=G)
    # FC head (eval: dropout = identity)
    fc = params['fc']
    h2 = g @ fc['w1'] + fc['b1']
    h2 = _leaky_relu(h2)
    h2 = _bn_eval(h2, fc['g1'], fc['be1'])
    h2 = h2 @ fc['w2'] + fc['b2']
    h2 = _leaky_relu(h2)
    h2 = _bn_eval(h2, fc['g2'], fc['be2'])
    out = h2 @ fc['w3'] + fc['b3']
    return out.reshape(-1)


def reference(x, pos, edge_index_intra, edge_index_inter, batch, params):
    edge_index = jnp.concatenate([edge_index_intra, edge_index_inter], axis=1)
    return _forward(x, params, edge_index, batch)

if __name__ == "__main__":
    import jax
    _d = setup_inputs()
    print(jax.jit(kernel)(*tuple(_d.values())))

</pallas_src>

<mosaic_0001>
#map = affine_map<(d0, d1) -> (0, 0)>
#map1 = affine_map<(d0, d1) -> (0, 0, 0, 0)>
#map2 = affine_map<(d0, d1) -> (0, 0, 0)>
module attributes {stable_mosaic.version = 14 : i64} {
  func.func @_sc_scatter(%arg0: i32, %arg1: i32, %arg2: memref<10000x128xf32, #tpu.memory_space<hbm>>, %arg3: memref<32x2x40x128xi32, #tpu.memory_space<hbm>>, %arg4: memref<32x2x40x128xi32, #tpu.memory_space<hbm>>, %arg5: memref<2x10240x128xf32, #tpu.memory_space<hbm>>, %arg6: memref<40x128xi32, #tpu.memory_space<vmem>>, %arg7: memref<40x128xi32, #tpu.memory_space<vmem>>, %arg8: memref<2x128x128xf32, #tpu.memory_space<vmem>>, %arg9: memref<10240x128xf32, #tpu.memory_space<vmem_shared>>, %arg10: memref<!tpu.dma_semaphore, #tpu.memory_space<semaphore_mem>>, %arg11: memref<!tpu.dma_semaphore, #tpu.memory_space<semaphore_mem>>, %arg12: memref<!tpu.dma_semaphore, #tpu.memory_space<semaphore_mem>>, %arg13: memref<!tpu.dma_semaphore, #tpu.memory_space<semaphore_mem>>, %arg14: memref<!tpu.dma_semaphore, #tpu.memory_space<semaphore_mem>>) attributes {dimension_semantics = [#tpu.dimension_semantics<core_parallel>, #tpu.dimension_semantics<subcore_parallel>], iteration_bounds = array<i64: 2, 16>, scalar_prefetch = 0 : i64, scratch_operands = 9 : i64, tpu.core_type = #tpu.core_type<sc_vector_subcore>, window_params = [{transform_indices = #map}, {transform_indices = #map1}, {transform_indices = #map1}, {transform_indices = #map2}]} {
    %mul3A = arith.constant 2 : i32
    %mul3A_0 = arith.muli %arg1, %mul3A : i32
    %add3A = arith.addi %mul3A_0, %arg0 : i32
    %scan3A = arith.constant 0 : i32
    %scan3A_1 = arith.constant 256 : i32
    %scan3A_2 = arith.addi %scan3A, %scan3A_1 : i32
    %scan3A_3 = arith.constant 1 : i32
    scf.for %scan3A_25 = %scan3A to %scan3A_2 step %scan3A_3  : i32 {
      %broadcast_in_dim3A = arith.constant 0.000000e+00 : f32
      %broadcast_in_dim3A_26 = vector.broadcast %broadcast_in_dim3A : f32 to vector<16xf32>
      %jit3A = arith.constant 8 : i32
      %div3A = arith.divsi %scan3A_25, %jit3A : i32
      %sign3A = arith.constant 0 : i32
      %sign3A_27 = arith.cmpi sgt, %scan3A_25, %sign3A : i32
      %sign3A_28 = arith.extui %sign3A_27 : i1 to i32
      %sign3A_29 = arith.constant 0 : i32
      %sign3A_30 = arith.cmpi slt, %scan3A_25, %sign3A_29 : i32
      %sign3A_31 = arith.extui %sign3A_30 : i1 to i32
      %sign3A_32 = arith.subi %sign3A_28, %sign3A_31 : i32
      %sign3A_33 = arith.constant 0 : i32
      %sign3A_34 = arith.cmpi sgt, %jit3A, %sign3A_33 : i32
      %sign3A_35 = arith.extui %sign3A_34 : i1 to i32
      %sign3A_36 = arith.constant 0 : i32
      %sign3A_37 = arith.cmpi slt, %jit3A, %sign3A_36 : i32
      %sign3A_38 = arith.extui %sign3A_37 : i1 to i32
      %sign3A_39 = arith.subi %sign3A_35, %sign3A_38 : i32
      %ne3A = arith.cmpi ne, %sign3A_32, %sign3A_39 : i32
      %rem3A = arith.remsi %scan3A_25, %jit3A : i32
      %ne3A_40 = arith.constant 0 : i32
      %ne3A_41 = arith.cmpi ne, %rem3A, %ne3A_40 : i32
      %and3A = arith.andi %ne3A, %ne3A_41 : i1
      %sub3A = arith.constant 1 : i32
      %sub3A_42 = arith.subi %div3A, %sub3A : i32
      %select_n3A = arith.select %and3A, %sub3A_42, %div3A : i32
      %jit3A_43 = arith.constant 8 : i32
      %eq3A = arith.constant 0 : i32
      %eq3A_44 = arith.cmpi eq, %jit3A_43, %eq3A : i32
      %jit3A_45 = arith.constant 1 : i32
      %select_n3A_46 = arith.select %eq3A_44, %jit3A_45, %jit3A_43 : i32
      %rem3A_47 = arith.remsi %scan3A_25, %select_n3A_46 : i32
      %ne3A_48 = arith.constant 0 : i32
      %ne3A_49 = arith.cmpi ne, %rem3A_47, %ne3A_48 : i32
      %lt3A = arith.constant 0 : i32
      %lt3A_50 = arith.cmpi slt, %rem3A_47, %lt3A : i32
      %lt3A_51 = arith.constant 0 : i32
      %lt3A_52 = arith.cmpi slt, %select_n3A_46, %lt3A_51 : i32
      %ne3A_53 = arith.xori %lt3A_50, %lt3A_52 : i1
      %and3A_54 = arith.andi %ne3A_53, %ne3A_49 : i1
      %add3A_55 = arith.addi %rem3A_47, %select_n3A_46 : i32
      %select_n3A_56 = arith.select %and3A_54, %add3A_55, %rem3A_47 : i32
      %mul3A_57 = arith.constant 16 : i32
      %mul3A_58 = arith.muli %select_n3A_56, %mul3A_57 : i32
      %swap3A = arith.constant 0 : i32
      %swap3A_59 = arith.index_cast %swap3A : i32 to index
      %swap3A_60 = arith.index_cast %select_n3A : i32 to index
      %swap3A_61 = arith.index_cast %mul3A_58 : i32 to index
      %swap3A_62 = tpu.vector_load %arg8[%swap3A_59, %swap3A_60, %swap3A_61] {strides = array<i32>} : memref<2x128x128xf32, #tpu.memory_space<vmem>>, vector<1x1x16xf32>,
      %swap3A_63 = vector.shape_cast %swap3A_62 : vector<1x1x16xf32> to vector<16xf32>
      %swap3A_64 = vector.shape_cast %broadcast_in_dim3A_26 : vector<16xf32> to vector<1x1x16xf32>
      tpu.vector_store %arg8[%swap3A_59, %swap3A_60, %swap3A_61], %swap3A_64 {strides = array<i32>} : memref<2x128x128xf32, #tpu.memory_space<vmem>>, vector<1x1x16xf32>,
    }
    %scan3A_4 = arith.constant 256 : i32
    %scan3A_5 = arith.constant 0 : i32
    %scan3A_6 = arith.constant 20 : i32
    %scan3A_7 = arith.addi %scan3A_5, %scan3A_6 : i32
    %scan3A_8 = arith.constant 1 : i32
    scf.for %scan3A_25 = %scan3A_5 to %scan3A_7 step %scan3A_8  : i32 {
      %mul3A_26 = arith.constant 640 : i32
      %mul3A_27 = arith.muli %arg1, %mul3A_26 : i32
      %mul3A_28 = arith.constant 32 : i32
      %mul3A_29 = arith.muli %scan3A_25, %mul3A_28 : i32
      %add3A_30 = arith.addi %mul3A_27, %mul3A_29 : i32
      %dma_start3A = arith.constant 0 : i32
      %dma_start3A_31 = arith.constant 0 : i32
      %dma_start3A_32 = arith.constant 0 : i32
      %dma_start3A_33 = tpu.memref_slice %arg8[%dma_start3A, %dma_start3A_31, %dma_start3A_32] : memref<2x128x128xf32, #tpu.memory_space<vmem>> -> memref<1x32x128xf32, #tpu.memory_space<vmem>>
      %dma_start3A_34 = tpu.memref_squeeze %dma_start3A_33 : memref<1x32x128xf32, #tpu.memory_space<vmem>> -> memref<32x128xf32, #tpu.memory_space<vmem>>
      %dma_start3A_35 = arith.constant 0 : i32
      %dma_start3A_36 = tpu.memref_slice %arg9[%add3A_30, %dma_start3A_35] : memref<10240x128xf32, #tpu.memory_space<vmem_shared>> -> memref<32x128xf32, #tpu.memory_space<vmem_shared>>
      %dma_start3A_37 = arith.constant 0 : i32
      %dma_start3A_38 = tpu.memref_slice %arg9[%add3A_30, %dma_start3A_37] : memref<10240x128xf32, #tpu.memory_space<vmem_shared>> -> memref<32x128xf32, #tpu.memory_space<vmem_shared>>
      %dma_start3A_39 = arith.constant 0 : i32
      %dma_start3A_40 = arith.constant 0 : i32
      %dma_start3A_41 = tpu.memref_slice %arg8[%dma_start3A, %dma_start3A_39, %dma_start3A_40] : memref<2x128x128xf32, #tpu.memory_space<vmem>> -> memref<1x32x128xf32, #tpu.memory_space<vmem>>
      %dma_start3A_42 = tpu.memref_squeeze %dma_start3A_41 : memref<1x32x128xf32, #tpu.memory_space<vmem>> -> memref<32x128xf32, #tpu.memory_space<vmem>>
      tpu.enqueue_dma source(%dma_start3A_42 : memref<32x128xf32, #tpu.memory_space<vmem>>) target(%dma_start3A_38 : memref<32x128xf32, #tpu.memory_space<vmem_shared>>) target_semaphore(%arg14 : memref<!tpu.dma_semaphore, #tpu.memory_space<semaphore_mem>>)
    }
    %scan3A_9 = arith.constant 20 : i32
    %scan3A_10 = arith.constant 0 : i32
    %scan3A_11 = arith.constant 20 : i32
    %scan3A_12 = arith.addi %scan3A_10, %scan3A_11 : i32
    %scan3A_13 = arith.constant 1 : i32
    scf.for %scan3A_25 = %scan3A_10 to %scan3A_12 step %scan3A_13  : i32 {
      %mul3A_26 = arith.constant 640 : i32
      %mul3A_27 = arith.muli %arg1, %mul3A_26 : i32
      %dma_wait3A = arith.constant 0 : i32
      %dma_wait3A_28 = arith.constant 0 : i32
      %dma_wait3A_29 = arith.constant 0 : i32
      %dma_wait3A_30 = tpu.memref_slice %arg8[%dma_wait3A, %dma_wait3A_28, %dma_wait3A_29] : memref<2x128x128xf32, #tpu.memory_space<vmem>> -> memref<1x32x128xf32, #tpu.memory_space<vmem>>
      %dma_wait3A_31 = tpu.memref_squeeze %dma_wait3A_30 : memref<1x32x128xf32, #tpu.memory_space<vmem>> -> memref<32x128xf32, #tpu.memory_space<vmem>>
      %dma_wait3A_32 = arith.constant 0 : i32
      %dma_wait3A_33 = tpu.memref_slice %arg9[%mul3A_27, %dma_wait3A_32] : memref<10240x128xf32, #tpu.memory_space<vmem_shared>> -> memref<32x128xf32, #tpu.memory_space<vmem_shared>>
      %dma_wait3A_34 = arith.constant 0 : i32
      %dma_wait3A_35 = tpu.memref_slice %arg9[%mul3A_27, %dma_wait3A_34] : memref<10240x128xf32, #tpu.memory_space<vmem_shared>> -> memref<32x128xf32, #tpu.memory_space<vmem_shared>>
      %dma_wait3A_36 = arith.constant 0 : i32
      %dma_wait3A_37 = arith.constant 0 : i32
      %dma_wait3A_38 = tpu.memref_slice %arg8[%dma_wait3A, %dma_wait3A_36, %dma_wait3A_37] : memref<2x128x128xf32, #tpu.memory_space<vmem>> -> memref<1x32x128xf32, #tpu.memory_space<vmem>>
      %dma_wait3A_39 = tpu.memref_squeeze %dma_wait3A_38 : memref<1x32x128xf32, #tpu.memory_space<vmem>> -> memref<32x128xf32, #tpu.memory_space<vmem>>
      tpu.wait_dma2 semaphore(%arg14 : memref<!tpu.dma_semaphore, #tpu.memory_space<semaphore_mem>>) src(%dma_wait3A_39 : memref<32x128xf32, #tpu.memory_space<vmem>>) dst(%dma_wait3A_35 : memref<32x128xf32, #tpu.memory_space<vmem_shared>>)
    }
    %scan3A_14 = arith.constant 20 : i32
    %barrier3A = arith.constant 0 : index
    tpu.barrier barrier_id(%barrier3A)
    %scan3A_15 = arith.constant 0 : i32
    %scan3A_16 = arith.constant 2 : i32
    %scan3A_17 = arith.addi %scan3A_15, %scan3A_16 : i32
    %scan3A_18 = arith.constant 1 : i32
    scf.for %scan3A_25 = %scan3A_15 to %scan3A_17 step %scan3A_18  : i32 {
      "tpu.region"() ({
        %run_scoped3A = tpu.sem_alloc : memref<!tpu.dma_semaphore, #tpu.memory_space<semaphore_mem>>
        %dma_start3A_125 = arith.constant 0 : i32
        %dma_start3A_126 = arith.constant 0 : i32
        %dma_start3A_127 = tpu.memref_slice %arg3[%add3A, %scan3A_25, %dma_start3A_125, %dma_start3A_126] : memref<32x2x40x128xi32, #tpu.memory_space<hbm>> -> memref<1x1x40x128xi32, #tpu.memory_space<hbm>>
        %dma_start3A_128 = tpu.memref_squeeze %dma_start3A_127 : memref<1x1x40x128xi32, #tpu.memory_space<hbm>> -> memref<40x128xi32, #tpu.memory_space<hbm>>
        %dma_start3A_129 = arith.constant 0 : i32
        %dma_start3A_130 = arith.constant 0 : i32
        %dma_start3A_131 = tpu.memref_slice %arg3[%add3A, %scan3A_25, %dma_start3A_129, %dma_start3A_130] : memref<32x2x40x128xi32, #tpu.memory_space<hbm>> -> memref<1x1x40x128xi32, #tpu.memory_space<hbm>>
        %dma_start3A_132 = tpu.memref_squeeze %dma_start3A_131 : memref<1x1x40x128xi32, #tpu.memory_space<hbm>> -> memref<40x128xi32, #tpu.memory_space<hbm>>
        tpu.enqueue_dma source(%dma_start3A_132 : memref<40x128xi32, #tpu.memory_space<hbm>>) target(%arg6 : memref<40x128xi32, #tpu.memory_space<vmem>>) target_semaphore(%run_scoped3A : memref<!tpu.dma_semaphore, #tpu.memory_space<semaphore_mem>>)
        %dma_wait3A_133 = arith.constant 0 : i32
        %dma_wait3A_134 = arith.constant 0 : i32
        %dma_wait3A_135 = tpu.memref_slice %arg3[%add3A, %scan3A_25, %dma_wait3A_133, %dma_wait3A_134] : memref<32x2x40x128xi32, #tpu.memory_space<hbm>> -> memref<1x1x40x128xi32, #tpu.memory_space<hbm>>
        %dma_wait3A_136 = tpu.memref_squeeze %dma_wait3A_135 : memref<1x1x40x128xi32, #tpu.memory_space<hbm>> -> memref<40x128xi32, #tpu.memory_space<hbm>>
        %dma_wait3A_137 = arith.constant 0 : i32
        %dma_wait3A_138 = arith.constant 0 : i32
        %dma_wait3A_139 = tpu.memref_slice %arg3[%add3A, %scan3A_25, %dma_wait3A_137, %dma_wait3A_138] : memref<32x2x40x128xi32, #tpu.memory_space<hbm>> -> memref<1x1x40x128xi32, #tpu.memory_space<hbm>>
        %dma_wait3A_140 = tpu.memref_squeeze %dma_wait3A_139 : memref<1x1x40x128xi32, #tpu.memory_space<hbm>> -> memref<40x128xi32, #tpu.memory_space<hbm>>
        tpu.wait_dma2 semaphore(%run_scoped3A : memref<!tpu.dma_semaphore, #tpu.memory_space<semaphore_mem>>) src(%dma_wait3A_140 : memref<40x128xi32, #tpu.memory_space<hbm>>) dst(%arg6 : memref<40x128xi32, #tpu.memory_space<vmem>>)
        tpu.yield
      }) : () -> ()
      "tpu.region"() ({
        %run_scoped3A = tpu.sem_alloc : memref<!tpu.dma_semaphore, #tpu.memory_space<semaphore_mem>>
        %dma_start3A_125 = arith.constant 0 : i32
        %dma_start3A_126 = arith.constant 0 : i32
        %dma_start3A_127 = tpu.memref_slice %arg4[%add3A, %scan3A_25, %dma_start3A_125, %dma_start3A_126] : memref<32x2x40x128xi32, #tpu.memory_space<hbm>> -> memref<1x1x40x128xi32, #tpu.memory_space<hbm>>
        %dma_start3A_128 = tpu.memref_squeeze %dma_start3A_127 : memref<1x1x40x128xi32, #tpu.memory_space<hbm>> -> memref<40x128xi32, #tpu.memory_space<hbm>>
        %dma_start3A_129 = arith.constant 0 : i32
        %dma_start3A_130 = arith.constant 0 : i32
        %dma_start3A_131 = tpu.memref_slice %arg4[%add3A, %scan3A_25, %dma_start3A_129, %dma_start3A_130] : memref<32x2x40x128xi32, #tpu.memory_space<hbm>> -> memref<1x1x40x128xi32, #tpu.memory_space<hbm>>
        %dma_start3A_132 = tpu.memref_squeeze %dma_start3A_131 : memref<1x1x40x128xi32, #tpu.memory_space<hbm>> -> memref<40x128xi32, #tpu.memory_space<hbm>>
        tpu.enqueue_dma source(%dma_start3A_132 : memref<40x128xi32, #tpu.memory_space<hbm>>) target(%arg7 : memref<40x128xi32, #tpu.memory_space<vmem>>) target_semaphore(%run_scoped3A : memref<!tpu.dma_semaphore, #tpu.memory_space<semaphore_mem>>)
        %dma_wait3A_133 = arith.constant 0 : i32
        %dma_wait3A_134 = arith.constant 0 : i32
        %dma_wait3A_135 = tpu.memref_slice %arg4[%add3A, %scan3A_25, %dma_wait3A_133, %dma_wait3A_134] : memref<32x2x40x128xi32, #tpu.memory_space<hbm>> -> memref<1x1x40x128xi32, #tpu.memory_space<hbm>>
        %dma_wait3A_136 = tpu.memref_squeeze %dma_wait3A_135 : memref<1x1x40x128xi32, #tpu.memory_space<hbm>> -> memref<40x128xi32, #tpu.memory_space<hbm>>
        %dma_wait3A_137 = arith.constant 0 : i32
        %dma_wait3A_138 = arith.constant 0 : i32
        %dma_wait3A_139 = tpu.memref_slice %arg4[%add3A, %scan3A_25, %dma_wait3A_137, %dma_wait3A_138] : memref<32x2x40x128xi32, #tpu.memory_space<hbm>> -> memref<1x1x40x128xi32, #tpu.memory_space<hbm>>
        %dma_wait3A_140 = tpu.memref_squeeze %dma_wait3A_139 : memref<1x1x40x128xi32, #tpu.memory_space<hbm>> -> memref<40x128xi32, #tpu.memory_space<hbm>>
        tpu.wait_dma2 semaphore(%run_scoped3A : memref<!tpu.dma_semaphore, #tpu.memory_space<semaphore_mem>>) src(%dma_wait3A_140 : memref<40x128xi32, #tpu.memory_space<hbm>>) dst(%arg7 : memref<40x128xi32, #tpu.memory_space<vmem>>)
        tpu.yield
      }) : () -> ()
      %dma_start3A = arith.constant 0 : i32
      %dma_start3A_26 = arith.constant 0 : i32
      %dma_start3A_27 = arith.constant 0 : i32
      %dma_start3A_28 = arith.constant 0 : i32
      %dma_start3A_29 = tpu.memref_slice %arg8[%dma_start3A_26, %dma_start3A_27, %dma_start3A_28] : memref<2x128x128xf32, #tpu.memory_space<vmem>> -> memref<1x128x128xf32, #tpu.memory_space<vmem>>
      %dma_start3A_30 = tpu.memref_squeeze %dma_start3A_29 : memref<1x128x128xf32, #tpu.memory_space<vmem>> -> memref<128x128xf32, #tpu.memory_space<vmem>>
      %dma_start3A_31 = arith.constant 0 : i32
      %dma_start3A_32 = tpu.memref_slice %arg7[%dma_start3A, %dma_start3A_31] : memref<40x128xi32, #tpu.memory_space<vmem>> -> memref<1x128xi32, #tpu.memory_space<vmem>>
      %dma_start3A_33 = tpu.memref_squeeze %dma_start3A_32 : memref<1x128xi32, #tpu.memory_space<vmem>> -> memref<128xi32, #tpu.memory_space<vmem>>
      %dma_start3A_34 = arith.constant 0 : i32
      %dma_start3A_35 = arith.constant 0 : i32
      %dma_start3A_36 = tpu.memref_slice %arg2[%dma_start3A_34, %dma_start3A_35] : memref<10000x128xf32, #tpu.memory_space<hbm>> -> memref<10000x128xf32, #tpu.memory_space<hbm>>
      tpu.enqueue_indirect_dma source(%dma_start3A_36 : memref<10000x128xf32, #tpu.memory_space<hbm>>) target(%dma_start3A_30 : memref<128x128xf32, #tpu.memory_space<vmem>>) offsets(%dma_start3A_33 : memref<128xi32, #tpu.memory_space<vmem>>) semaphore(%arg10 : memref<!tpu.dma_semaphore, #tpu.memory_space<semaphore_mem>>)
      %dma_start3A_37 = arith.constant 1 : i32
      %dma_start3A_38 = arith.constant 1 : i32
      %dma_start3A_39 = arith.constant 0 : i32
      %dma_start3A_40 = arith.constant 0 : i32
      %dma_start3A_41 = tpu.memref_slice %arg8[%dma_start3A_38, %dma_start3A_39, %dma_start3A_40] : memref<2x128x128xf32, #tpu.memory_space<vmem>> -> memref<1x128x128xf32, #tpu.memory_space<vmem>>
      %dma_start3A_42 = tpu.memref_squeeze %dma_start3A_41 : memref<1x128x128xf32, #tpu.memory_space<vmem>> -> memref<128x128xf32, #tpu.memory_space<vmem>>
      %dma_start3A_43 = arith.constant 0 : i32
      %dma_start3A_44 = tpu.memref_slice %arg7[%dma_start3A_37, %dma_start3A_43] : memref<40x128xi32, #tpu.memory_space<vmem>> -> memref<1x128xi32, #tpu.memory_space<vmem>>
      %dma_start3A_45 = tpu.memref_squeeze %dma_start3A_44 : memref<1x128xi32, #tpu.memory_space<vmem>> -> memref<128xi32, #tpu.memory_space<vmem>>
      %dma_start3A_46 = arith.constant 0 : i32
      %dma_start3A_47 = arith.constant 0 : i32
      %dma_start3A_48 = tpu.memref_slice %arg2[%dma_start3A_46, %dma_start3A_47] : memref<10000x128xf32, #tpu.memory_space<hbm>> -> memref<10000x128xf32, #tpu.memory_space<hbm>>
      tpu.enqueue_indirect_dma source(%dma_start3A_48 : memref<10000x128xf32, #tpu.memory_space<hbm>>) target(%dma_start3A_42 : memref<128x128xf32, #tpu.memory_space<vmem>>) offsets(%dma_start3A_45 : memref<128xi32, #tpu.memory_space<vmem>>) semaphore(%arg11 : memref<!tpu.dma_semaphore, #tpu.memory_space<semaphore_mem>>)
      %scan3A_49 = arith.constant 0 : i32
      %scan3A_50 = arith.constant 19 : i32
      %scan3A_51 = arith.addi %scan3A_49, %scan3A_50 : i32
      %scan3A_52 = arith.constant 1 : i32
      scf.for %scan3A_125 = %scan3A_49 to %scan3A_51 step %scan3A_52  : i32 {
        %mul3A_126 = arith.constant 2 : i32
        %mul3A_127 = arith.muli %scan3A_125, %mul3A_126 : i32
        %add3A_128 = arith.constant 0 : i32
        %add3A_129 = arith.addi %mul3A_127, %add3A_128 : i32
        %dma_wait3A_130 = arith.constant 0 : i32
        %dma_wait3A_131 = arith.constant 0 : i32
        %dma_wait3A_132 = arith.constant 0 : i32
        %dma_wait3A_133 = tpu.memref_slice %arg8[%dma_wait3A_130, %dma_wait3A_131, %dma_wait3A_132] : memref<2x128x128xf32, #tpu.memory_space<vmem>> -> memref<1x128x128xf32, #tpu.memory_space<vmem>>
        %dma_wait3A_134 = tpu.memref_squeeze %dma_wait3A_133 : memref<1x128x128xf32, #tpu.memory_space<vmem>> -> memref<128x128xf32, #tpu.memory_space<vmem>>
        %dma_wait3A_135 = arith.constant 0 : i32
        %dma_wait3A_136 = tpu.memref_slice %arg7[%add3A_129, %dma_wait3A_135] : memref<40x128xi32, #tpu.memory_space<vmem>> -> memref<1x128xi32, #tpu.memory_space<vmem>>
        %dma_wait3A_137 = tpu.memref_squeeze %dma_wait3A_136 : memref<1x128xi32, #tpu.memory_space<vmem>> -> memref<128xi32, #tpu.memory_space<vmem>>
        %dma_wait3A_138 = arith.constant 0 : i32
        %dma_wait3A_139 = arith.constant 0 : i32
        %dma_wait3A_140 = tpu.memref_slice %arg2[%dma_wait3A_138, %dma_wait3A_139] : memref<10000x128xf32, #tpu.memory_space<hbm>> -> memref<10000x128xf32, #tpu.memory_space<hbm>>
        tpu.wait_indirect_dma semaphore(%arg10 : memref<!tpu.dma_semaphore, #tpu.memory_space<semaphore_mem>>) src(%dma_wait3A_140 : memref<10000x128xf32, #tpu.memory_space<hbm>>) dst(%dma_wait3A_134 : memref<128x128xf32, #tpu.memory_space<vmem>>)
        %dma_start3A_141 = arith.constant 0 : i32
        %dma_start3A_142 = arith.constant 0 : i32
        %dma_start3A_143 = arith.constant 0 : i32
        %dma_start3A_144 = tpu.memref_slice %arg8[%dma_start3A_141, %dma_start3A_142, %dma_start3A_143] : memref<2x128x128xf32, #tpu.memory_space<vmem>> -> memref<1x128x128xf32, #tpu.memory_space<vmem>>
        %dma_start3A_145 = tpu.memref_squeeze %dma_start3A_144 : memref<1x128x128xf32, #tpu.memory_space<vmem>> -> memref<128x128xf32, #tpu.memory_space<vmem>>
        %dma_start3A_146 = arith.constant 0 : i32
        %dma_start3A_147 = tpu.memref_slice %arg6[%add3A_129, %dma_start3A_146] : memref<40x128xi32, #tpu.memory_space<vmem>> -> memref<1x128xi32, #tpu.memory_space<vmem>>
        %dma_start3A_148 = tpu.memref_squeeze %dma_start3A_147 : memref<1x128xi32, #tpu.memory_space<vmem>> -> memref<128xi32, #tpu.memory_space<vmem>>
        %dma_start3A_149 = arith.constant 0 : i32
        %dma_start3A_150 = arith.constant 0 : i32
        %dma_start3A_151 = tpu.memref_slice %arg9[%dma_start3A_149, %dma_start3A_150] : memref<10240x128xf32, #tpu.memory_space<vmem_shared>> -> memref<10240x128xf32, #tpu.memory_space<vmem_shared>>
        tpu.enqueue_indirect_dma source(%dma_start3A_145 : memref<128x128xf32, #tpu.memory_space<vmem>>) target(%dma_start3A_151 : memref<10240x128xf32, #tpu.memory_space<vmem_shared>>) offsets(%dma_start3A_148 : memref<128xi32, #tpu.memory_space<vmem>>) semaphore(%arg12 : memref<!tpu.dma_semaphore, #tpu.memory_space<semaphore_mem>>) {add = true}
        %dma_wait3A_152 = arith.constant 0 : i32
        %dma_wait3A_153 = arith.constant 0 : i32
        %dma_wait3A_154 = arith.constant 0 : i32
        %dma_wait3A_155 = tpu.memref_slice %arg8[%dma_wait3A_152, %dma_wait3A_153, %dma_wait3A_154] : memref<2x128x128xf32, #tpu.memory_space<vmem>> -> memref<1x128x128xf32, #tpu.memory_space<vmem>>
        %dma_wait3A_156 = tpu.memref_squeeze %dma_wait3A_155 : memref<1x128x128xf32, #tpu.memory_space<vmem>> -> memref<128x128xf32, #tpu.memory_space<vmem>>
        %dma_wait3A_157 = arith.constant 0 : i32
        %dma_wait3A_158 = tpu.memref_slice %arg6[%add3A_129, %dma_wait3A_157] : memref<40x128xi32, #tpu.memory_space<vmem>> -> memref<1x128xi32, #tpu.memory_space<vmem>>
        %dma_wait3A_159 = tpu.memref_squeeze %dma_wait3A_158 : memref<1x128xi32, #tpu.memory_space<vmem>> -> memref<128xi32, #tpu.memory_space<vmem>>
        %dma_wait3A_160 = arith.constant 0 : i32
        %dma_wait3A_161 = arith.constant 0 : i32
        %dma_wait3A_162 = tpu.memref_slice %arg9[%dma_wait3A_160, %dma_wait3A_161] : memref<10240x128xf32, #tpu.memory_space<vmem_shared>> -> memref<10240x128xf32, #tpu.memory_space<vmem_shared>>
        tpu.wait_indirect_dma semaphore(%arg12 : memref<!tpu.dma_semaphore, #tpu.memory_space<semaphore_mem>>) src(%dma_wait3A_156 : memref<128x128xf32, #tpu.memory_space<vmem>>) dst(%dma_wait3A_162 : memref<10240x128xf32, #tpu.memory_space<vmem_shared>>)
        %add3A_163 = arith.constant 2 : i32
        %add3A_164 = arith.addi %add3A_129, %add3A_163 : i32
        %dma_start3A_165 = arith.constant 0 : i32
        %dma_start3A_166 = arith.constant 0 : i32
        %dma_start3A_167 = arith.constant 0 : i32
        %dma_start3A_168 = tpu.memref_slice %arg8[%dma_start3A_165, %dma_start3A_166, %dma_start3A_167] : memref<2x128x128xf32, #tpu.memory_space<vmem>> -> memref<1x128x128xf32, #tpu.memory_space<vmem>>
        %dma_start3A_169 = tpu.memref_squeeze %dma_start3A_168 : memref<1x128x128xf32, #tpu.memory_space<vmem>> -> memref<128x128xf32, #tpu.memory_space<vmem>>
        %dma_start3A_170 = arith.constant 0 : i32
        %dma_start3A_171 = tpu.memref_slice %arg7[%add3A_164, %dma_start3A_170] : memref<40x128xi32, #tpu.memory_space<vmem>> -> memref<1x128xi32, #tpu.memory_space<vmem>>
        %dma_start3A_172 = tpu.memref_squeeze %dma_start3A_171 : memref<1x128xi32, #tpu.memory_space<vmem>> -> memref<128xi32, #tpu.memory_space<vmem>>
        %dma_start3A_173 = arith.constant 0 : i32
        %dma_start3A_174 = arith.constant 0 : i32
        %dma_start3A_175 = tpu.memref_slice %arg2[%dma_start3A_173, %dma_start3A_174] : memref<10000x128xf32, #tpu.memory_space<hbm>> -> memref<10000x128xf32, #tpu.memory_space<hbm>>
        tpu.enqueue_indirect_dma source(%dma_start3A_175 : memref<10000x128xf32, #tpu.memory_space<hbm>>) target(%dma_start3A_169 : memref<128x128xf32, #tpu.memory_space<vmem>>) offsets(%dma_start3A_172 : memref<128xi32, #tpu.memory_space<vmem>>) semaphore(%arg10 : memref<!tpu.dma_semaphore, #tpu.memory_space<semaphore_mem>>)
        %mul3A_176 = arith.constant 2 : i32
        %mul3A_177 = arith.muli %scan3A_125, %mul3A_176 : i32
        %add3A_178 = arith.constant 1 : i32
        %add3A_179 = arith.addi %mul3A_177, %add3A_178 : i32
        %dma_wait3A_180 = arith.constant 1 : i32
        %dma_wait3A_181 = arith.constant 0 : i32
        %dma_wait3A_182 = arith.constant 0 : i32
        %dma_wait3A_183 = tpu.memref_slice %arg8[%dma_wait3A_180, %dma_wait3A_181, %dma_wait3A_182] : memref<2x128x128xf32, #tpu.memory_space<vmem>> -> memref<1x128x128xf32, #tpu.memory_space<vmem>>
        %dma_wait3A_184 = tpu.memref_squeeze %dma_wait3A_183 : memref<1x128x128xf32, #tpu.memory_space<vmem>> -> memref<128x128xf32, #tpu.memory_space<vmem>>
        %dma_wait3A_185 = arith.constant 0 : i32
        %dma_wait3A_186 = tpu.memref_slice %arg7[%add3A_179, %dma_wait3A_185] : memref<40x128xi32, #tpu.memory_space<vmem>> -> memref<1x128xi32, #tpu.memory_space<vmem>>
        %dma_wait3A_187 = tpu.memref_squeeze %dma_wait3A_186 : memref<1x128xi32, #tpu.memory_space<vmem>> -> memref<128xi32, #tpu.memory_space<vmem>>
        %dma_wait3A_188 = arith.constant 0 : i32
        %dma_wait3A_189 = arith.constant 0 : i32
        %dma_wait3A_190 = tpu.memref_slice %arg2[%dma_wait3A_188, %dma_wait3A_189] : memref<10000x128xf32, #tpu.memory_space<hbm>> -> memref<10000x128xf32, #tpu.memory_space<hbm>>
        tpu.wait_indirect_dma semaphore(%arg11 : memref<!tpu.dma_semaphore, #tpu.memory_space<semaphore_mem>>) src(%dma_wait3A_190 : memref<10000x128xf32, #tpu.memory_space<hbm>>) dst(%dma_wait3A_184 : memref<128x128xf32, #tpu.memory_space<vmem>>)
        %dma_start3A_191 = arith.constant 1 : i32
        %dma_start3A_192 = arith.constant 0 : i32
        %dma_start3A_193 = arith.constant 0 : i32
        %dma_start3A_194 = tpu.memref_slice %arg8[%dma_start3A_191, %dma_start3A_192, %dma_start3A_193] : memref<2x128x128xf32, #tpu.memory_space<vmem>> -> memref<1x128x128xf32, #tpu.memory_space<vmem>>
        %dma_start3A_195 = tpu.memref_squeeze %dma_start3A_194 : memref<1x128x128xf32, #tpu.memory_space<vmem>> -> memref<128x128xf32, #tpu.memory_space<vmem>>
        %dma_start3A_196 = arith.constant 0 : i32
        %dma_start3A_197 = tpu.memref_slice %arg6[%add3A_179, %dma_start3A_196] : memref<40x128xi32, #tpu.memory_space<vmem>> -> memref<1x128xi32, #tpu.memory_space<vmem>>
        %dma_start3A_198 = tpu.memref_squeeze %dma_start3A_197 : memref<1x128xi32, #tpu.memory_space<vmem>> -> memref<128xi32, #tpu.memory_space<vmem>>
        %dma_start3A_199 = arith.constant 0 : i32
        %dma_start3A_200 = arith.constant 0 : i32
        %dma_start3A_201 = tpu.memref_slice %arg9[%dma_start3A_199, %dma_start3A_200] : memref<10240x128xf32, #tpu.memory_space<vmem_shared>> -> memref<10240x128xf32, #tpu.memory_space<vmem_shared>>
        tpu.enqueue_indirect_dma source(%dma_start3A_195 : memref<128x128xf32, #tpu.memory_space<vmem>>) target(%dma_start3A_201 : memref<10240x128xf32, #tpu.memory_space<vmem_shared>>) offsets(%dma_start3A_198 : memref<128xi32, #tpu.memory_space<vmem>>) semaphore(%arg13 : memref<!tpu.dma_semaphore, #tpu.memory_space<semaphore_mem>>) {add = true}
        %dma_wait3A_202 = arith.constant 1 : i32
        %dma_wait3A_203 = arith.constant 0 : i32
        %dma_wait3A_204 = arith.constant 0 : i32
        %dma_wait3A_205 = tpu.memref_slice %arg8[%dma_wait3A_202, %dma_wait3A_203, %dma_wait3A_204] : memref<2x128x128xf32, #tpu.memory_space<vmem>> -> memref<1x128x128xf32, #tpu.memory_space<vmem>>
        %dma_wait3A_206 = tpu.memref_squeeze %dma_wait3A_205 : memref<1x128x128xf32, #tpu.memory_space<vmem>> -> memref<128x128xf32, #tpu.memory_space<vmem>>
        %dma_wait3A_207 = arith.constant 0 : i32
        %dma_wait3A_208 = tpu.memref_slice %arg6[%add3A_179, %dma_wait3A_207] : memref<40x128xi32, #tpu.memory_space<vmem>> -> memref<1x128xi32, #tpu.memory_space<vmem>>
        %dma_wait3A_209 = tpu.memref_squeeze %dma_wait3A_208 : memref<1x128xi32, #tpu.memory_space<vmem>> -> memref<128xi32, #tpu.memory_space<vmem>>
        %dma_wait3A_210 = arith.constant 0 : i32
        %dma_wait3A_211 = arith.constant 0 : i32
        %dma_wait3A_212 = tpu.memref_slice %arg9[%dma_wait3A_210, %dma_wait3A_211] : memref<10240x128xf32, #tpu.memory_space<vmem_shared>> -> memref<10240x128xf32, #tpu.memory_space<vmem_shared>>
        tpu.wait_indirect_dma semaphore(%arg13 : memref<!tpu.dma_semaphore, #tpu.memory_space<semaphore_mem>>) src(%dma_wait3A_206 : memref<128x128xf32, #tpu.memory_space<vmem>>) dst(%dma_wait3A_212 : memref<10240x128xf32, #tpu.memory_space<vmem_shared>>)
        %add3A_213 = arith.constant 2 : i32
        %add3A_214 = arith.addi %add3A_179, %add3A_213 : i32
        %dma_start3A_215 = arith.constant 1 : i32
        %dma_start3A_216 = arith.constant 0 : i32
        %dma_start3A_217 = arith.constant 0 : i32
        %dma_start3A_218 = tpu.memref_slice %arg8[%dma_start3A_215, %dma_start3A_216, %dma_start3A_217] : memref<2x128x128xf32, #tpu.memory_space<vmem>> -> memref<1x128x128xf32, #tpu.memory_space<vmem>>
        %dma_start3A_219 = tpu.memref_squeeze %dma_start3A_218 : memref<1x128x128xf32, #tpu.memory_space<vmem>> -> memref<128x128xf32, #tpu.memory_space<vmem>>
        %dma_start3A_220 = arith.constant 0 : i32
        %dma_start3A_221 = tpu.memref_slice %arg7[%add3A_214, %dma_start3A_220] : memref<40x128xi32, #tpu.memory_space<vmem>> -> memref<1x128xi32, #tpu.memory_space<vmem>>
        %dma_start3A_222 = tpu.memref_squeeze %dma_start3A_221 : memref<1x128xi32, #tpu.memory_space<vmem>> -> memref<128xi32, #tpu.memory_space<vmem>>
        %dma_start3A_223 = arith.constant 0 : i32
        %dma_start3A_224 = arith.constant 0 : i32
        %dma_start3A_225 = tpu.memref_slice %arg2[%dma_start3A_223, %dma_start3A_224] : memref<10000x128xf32, #tpu.memory_space<hbm>> -> memref<10000x128xf32, #tpu.memory_space<hbm>>
        tpu.enqueue_indirect_dma source(%dma_start3A_225 : memref<10000x128xf32, #tpu.memory_space<hbm>>) target(%dma_start3A_219 : memref<128x128xf32, #tpu.memory_space<vmem>>) offsets(%dma_start3A_222 : memref<128xi32, #tpu.memory_space<vmem>>) semaphore(%arg11 : memref<!tpu.dma_semaphore, #tpu.memory_space<semaphore_mem>>)
      }
      %scan3A_53 = arith.constant 19 : i32
      %dma_wait3A = arith.constant 38 : i32
      %dma_wait3A_54 = arith.constant 0 : i32
      %dma_wait3A_55 = arith.constant 0 : i32
      %dma_wait3A_56 = arith.constant 0 : i32
      %dma_wait3A_57 = tpu.memref_slice %arg8[%dma_wait3A_54, %dma_wait3A_55, %dma_wait3A_56] : memref<2x128x128xf32, #tpu.memory_space<vmem>> -> memref<1x128x128xf32, #tpu.memory_space<vmem>>
      %dma_wait3A_58 = tpu.memref_squeeze %dma_wait3A_57 : memref<1x128x128xf32, #tpu.memory_space<vmem>> -> memref<128x128xf32, #tpu.memory_space<vmem>>
      %dma_wait3A_59 = arith.constant 0 : i32
      %dma_wait3A_60 = tpu.memref_slice %arg7[%dma_wait3A, %dma_wait3A_59] : memref<40x128xi32, #tpu.memory_space<vmem>> -> memref<1x128xi32, #tpu.memory_space<vmem>>
      %dma_wait3A_61 = tpu.memref_squeeze %dma_wait3A_60 : memref<1x128xi32, #tpu.memory_space<vmem>> -> memref<128xi32, #tpu.memory_space<vmem>>
      %dma_wait3A_62 = arith.constant 0 : i32
      %dma_wait3A_63 = arith.constant 0 : i32
      %dma_wait3A_64 = tpu.memref_slice %arg2[%dma_wait3A_62, %dma_wait3A_63] : memref<10000x128xf32, #tpu.memory_space<hbm>> -> memref<10000x128xf32, #tpu.memory_space<hbm>>
      tpu.wait_indirect_dma semaphore(%arg10 : memref<!tpu.dma_semaphore, #tpu.memory_space<semaphore_mem>>) src(%dma_wait3A_64 : memref<10000x128xf32, #tpu.memory_space<hbm>>) dst(%dma_wait3A_58 : memref<128x128xf32, #tpu.memory_space<vmem>>)
      %dma_start3A_65 = arith.constant 0 : i32
      %dma_start3A_66 = arith.constant 38 : i32
      %dma_start3A_67 = arith.constant 0 : i32
      %dma_start3A_68 = arith.constant 0 : i32
      %dma_start3A_69 = tpu.memref_slice %arg8[%dma_start3A_65, %dma_start3A_67, %dma_start3A_68] : memref<2x128x128xf32, #tpu.memory_space<vmem>> -> memref<1x128x128xf32, #tpu.memory_space<vmem>>
      %dma_start3A_70 = tpu.memref_squeeze %dma_start3A_69 : memref<1x128x128xf32, #tpu.memory_space<vmem>> -> memref<128x128xf32, #tpu.memory_space<vmem>>
      %dma_start3A_71 = arith.constant 0 : i32
      %dma_start3A_72 = tpu.memref_slice %arg6[%dma_start3A_66, %dma_start3A_71] : memref<40x128xi32, #tpu.memory_space<vmem>> -> memref<1x128xi32, #tpu.memory_space<vmem>>
      %dma_start3A_73 = tpu.memref_squeeze %dma_start3A_72 : memref<1x128xi32, #tpu.memory_space<vmem>> -> memref<128xi32, #tpu.memory_space<vmem>>
      %dma_start3A_74 = arith.constant 0 : i32
      %dma_start3A_75 = arith.constant 0 : i32
      %dma_start3A_76 = tpu.memref_slice %arg9[%dma_start3A_74, %dma_start3A_75] : memref<10240x128xf32, #tpu.memory_space<vmem_shared>> -> memref<10240x128xf32, #tpu.memory_space<vmem_shared>>
      tpu.enqueue_indirect_dma source(%dma_start3A_70 : memref<128x128xf32, #tpu.memory_space<vmem>>) target(%dma_start3A_76 : memref<10240x128xf32, #tpu.memory_space<vmem_shared>>) offsets(%dma_start3A_73 : memref<128xi32, #tpu.memory_space<vmem>>) semaphore(%arg12 : memref<!tpu.dma_semaphore, #tpu.memory_space<semaphore_mem>>) {add = true}
      %dma_wait3A_77 = arith.constant 0 : i32
      %dma_wait3A_78 = arith.constant 38 : i32
      %dma_wait3A_79 = arith.constant 0 : i32
      %dma_wait3A_80 = arith.constant 0 : i32
      %dma_wait3A_81 = tpu.memref_slice %arg8[%dma_wait3A_77, %dma_wait3A_79, %dma_wait3A_80] : memref<2x128x128xf32, #tpu.memory_space<vmem>> -> memref<1x128x128xf32, #tpu.memory_space<vmem>>
      %dma_wait3A_82 = tpu.memref_squeeze %dma_wait3A_81 : memref<1x128x128xf32, #tpu.memory_space<vmem>> -> memref<128x128xf32, #tpu.memory_space<vmem>>
      %dma_wait3A_83 = arith.constant 0 : i32
      %dma_wait3A_84 = tpu.memref_slice %arg6[%dma_wait3A_78, %dma_wait3A_83] : memref<40x128xi32, #tpu.memory_space<vmem>> -> memref<1x128xi32, #tpu.memory_space<vmem>>
      %dma_wait3A_85 = tpu.memref_squeeze %dma_wait3A_84 : memref<1x128xi32, #tpu.memory_space<vmem>> -> memref<128xi32, #tpu.memory_space<vmem>>
      %dma_wait3A_86 = arith.constant 0 : i32
      %dma_wait3A_87 = arith.constant 0 : i32
      %dma_wait3A_88 = tpu.memref_slice %arg9[%dma_wait3A_86, %dma_wait3A_87] : memref<10240x128xf32, #tpu.memory_space<vmem_shared>> -> memref<10240x128xf32, #tpu.memory_space<vmem_shared>>
      tpu.wait_indirect_dma semaphore(%arg12 : memref<!tpu.dma_semaphore, #tpu.memory_space<semaphore_mem>>) src(%dma_wait3A_82 : memref<128x128xf32, #tpu.memory_space<vmem>>) dst(%dma_wait3A_88 : memref<10240x128xf32, #tpu.memory_space<vmem_shared>>)
      %dma_wait3A_89 = arith.constant 39 : i32
      %dma_wait3A_90 = arith.constant 1 : i32
      %dma_wait3A_91 = arith.constant 0 : i32
      %dma_wait3A_92 = arith.constant 0 : i32
      %dma_wait3A_93 = tpu.memref_slice %arg8[%dma_wait3A_90, %dma_wait3A_91, %dma_wait3A_92] : memref<2x128x128xf32, #tpu.memory_space<vmem>> -> memref<1x128x128xf32, #tpu.memory_space<vmem>>
      %dma_wait3A_94 = tpu.memref_squeeze %dma_wait3A_93 : memref<1x128x128xf32, #tpu.memory_space<vmem>> -> memref<128x128xf32, #tpu.memory_space<vmem>>
      %dma_wait3A_95 = arith.constant 0 : i32
      %dma_wait3A_96 = tpu.memref_slice %arg7[%dma_wait3A_89, %dma_wait3A_95] : memref<40x128xi32, #tpu.memory_space<vmem>> -> memref<1x128xi32, #tpu.memory_space<vmem>>
      %dma_wait3A_97 = tpu.memref_squeeze %dma_wait3A_96 : memref<1x128xi32, #tpu.memory_space<vmem>> -> memref<128xi32, #tpu.memory_space<vmem>>
      %dma_wait3A_98 = arith.constant 0 : i32
      %dma_wait3A_99 = arith.constant 0 : i32
      %dma_wait3A_100 = tpu.memref_slice %arg2[%dma_wait3A_98, %dma_wait3A_99] : memref<10000x128xf32, #tpu.memory_space<hbm>> -> memref<10000x128xf32, #tpu.memory_space<hbm>>
      tpu.wait_indirect_dma semaphore(%arg11 : memref<!tpu.dma_semaphore, #tpu.memory_space<semaphore_mem>>) src(%dma_wait3A_100 : memref<10000x128xf32, #tpu.memory_space<hbm>>) dst(%dma_wait3A_94 : memref<128x128xf32, #tpu.memory_space<vmem>>)
      %dma_start3A_101 = arith.constant 1 : i32
      %dma_start3A_102 = arith.constant 39 : i32
      %dma_start3A_103 = arith.constant 0 : i32
      %dma_start3A_104 = arith.constant 0 : i32
      %dma_start3A_105 = tpu.memref_slice %arg8[%dma_start3A_101, %dma_start3A_103, %dma_start3A_104] : memref<2x128x128xf32, #tpu.memory_space<vmem>> -> memref<1x128x128xf32, #tpu.memory_space<vmem>>
      %dma_start3A_106 = tpu.memref_squeeze %dma_start3A_105 : memref<1x128x128xf32, #tpu.memory_space<vmem>> -> memref<128x128xf32, #tpu.memory_space<vmem>>
      %dma_start3A_107 = arith.constant 0 : i32
      %dma_start3A_108 = tpu.memref_slice %arg6[%dma_start3A_102, %dma_start3A_107] : memref<40x128xi32, #tpu.memory_space<vmem>> -> memref<1x128xi32, #tpu.memory_space<vmem>>
      %dma_start3A_109 = tpu.memref_squeeze %dma_start3A_108 : memref<1x128xi32, #tpu.memory_space<vmem>> -> memref<128xi32, #tpu.memory_space<vmem>>
      %dma_start3A_110 = arith.constant 0 : i32
      %dma_start3A_111 = arith.constant 0 : i32
      %dma_start3A_112 = tpu.memref_slice %arg9[%dma_start3A_110, %dma_start3A_111] : memref<10240x128xf32, #tpu.memory_space<vmem_shared>> -> memref<10240x128xf32, #tpu.memory_space<vmem_shared>>
      tpu.enqueue_indirect_dma source(%dma_start3A_106 : memref<128x128xf32, #tpu.memory_space<vmem>>) target(%dma_start3A_112 : memref<10240x128xf32, #tpu.memory_space<vmem_shared>>) offsets(%dma_start3A_109 : memref<128xi32, #tpu.memory_space<vmem>>) semaphore(%arg13 : memref<!tpu.dma_semaphore, #tpu.memory_space<semaphore_mem>>) {add = true}
      %dma_wait3A_113 = arith.constant 1 : i32
      %dma_wait3A_114 = arith.constant 39 : i32
      %dma_wait3A_115 = arith.constant 0 : i32
      %dma_wait3A_116 = arith.constant 0 : i32
      %dma_wait3A_117 = tpu.memref_slice %arg8[%dma_wait3A_113, %dma_wait3A_115, %dma_wait3A_116] : memref<2x128x128xf32, #tpu.memory_space<vmem>> -> memref<1x128x128xf32, #tpu.memory_space<vmem>>
      %dma_wait3A_118 = tpu.memref_squeeze %dma_wait3A_117 : memref<1x128x128xf32, #tpu.memory_space<vmem>> -> memref<128x128xf32, #tpu.memory_space<vmem>>
      %dma_wait3A_119 = arith.constant 0 : i32
      %dma_wait3A_120 = tpu.memref_slice %arg6[%dma_wait3A_114, %dma_wait3A_119] : memref<40x128xi32, #tpu.memory_space<vmem>> -> memref<1x128xi32, #tpu.memory_space<vmem>>
      %dma_wait3A_121 = tpu.memref_squeeze %dma_wait3A_120 : memref<1x128xi32, #tpu.memory_space<vmem>> -> memref<128xi32, #tpu.memory_space<vmem>>
      %dma_wait3A_122 = arith.constant 0 : i32
      %dma_wait3A_123 = arith.constant 0 : i32
      %dma_wait3A_124 = tpu.memref_slice %arg9[%dma_wait3A_122, %dma_wait3A_123] : memref<10240x128xf32, #tpu.memory_space<vmem_shared>> -> memref<10240x128xf32, #tpu.memory_space<vmem_shared>>
      tpu.wait_indirect_dma semaphore(%arg13 : memref<!tpu.dma_semaphore, #tpu.memory_space<semaphore_mem>>) src(%dma_wait3A_118 : memref<128x128xf32, #tpu.memory_space<vmem>>) dst(%dma_wait3A_124 : memref<10240x128xf32, #tpu.memory_space<vmem_shared>>)
    }
    %scan3A_19 = arith.constant 2 : i32
    %barrier3A_20 = arith.constant 0 : index
    tpu.barrier barrier_id(%barrier3A_20)
    %mul3A_21 = arith.constant 640 : i32
    %mul3A_22 = arith.muli %arg1, %mul3A_21 : i32
    %mul3A_23 = arith.constant 640 : i32
    %mul3A_24 = arith.muli %arg1, %mul3A_23 : i32
    "tpu.region"() ({
      %run_scoped3A = tpu.sem_alloc : memref<!tpu.dma_semaphore, #tpu.memory_space<semaphore_mem>>
      %dma_start3A = arith.constant 0 : i32
      %dma_start3A_25 = tpu.memref_slice %arg5[%arg0, %mul3A_24, %dma_start3A] : memref<2x10240x128xf32, #tpu.memory_space<hbm>> -> memref<1x640x128xf32, #tpu.memory_space<hbm>>
      %dma_start3A_26 = tpu.memref_squeeze %dma_start3A_25 : memref<1x640x128xf32, #tpu.memory_space<hbm>> -> memref<640x128xf32, #tpu.memory_space<hbm>>
      %dma_start3A_27 = arith.constant 0 : i32
      %dma_start3A_28 = tpu.memref_slice %arg9[%mul3A_22, %dma_start3A_27] : memref<10240x128xf32, #tpu.memory_space<vmem_shared>> -> memref<640x128xf32, #tpu.memory_space<vmem_shared>>
      tpu.enqueue_dma source(%dma_start3A_28 : memref<640x128xf32, #tpu.memory_space<vmem_shared>>) target(%dma_start3A_26 : memref<640x128xf32, #tpu.memory_space<hbm>>) target_semaphore(%run_scoped3A : memref<!tpu.dma_semaphore, #tpu.memory_space<semaphore_mem>>)
      %dma_wait3A = arith.constant 0 : i32
      %dma_wait3A_29 = tpu.memref_slice %arg5[%arg0, %mul3A_24, %dma_wait3A] : memref<2x10240x128xf32, #tpu.memory_space<hbm>> -> memref<1x640x128xf32, #tpu.memory_space<hbm>>
      %dma_wait3A_30 = tpu.memref_squeeze %dma_wait3A_29 : memref<1x640x128xf32, #tpu.memory_space<hbm>> -> memref<640x128xf32, #tpu.memory_space<hbm>>
      %dma_wait3A_31 = arith.constant 0 : i32
      %dma_wait3A_32 = tpu.memref_slice %arg9[%mul3A_22, %dma_wait3A_31] : memref<10240x128xf32, #tpu.memory_space<vmem_shared>> -> memref<640x128xf32, #tpu.memory_space<vmem_shared>>
      tpu.wait_dma2 semaphore(%run_scoped3A : memref<!tpu.dma_semaphore, #tpu.memory_space<semaphore_mem>>) src(%dma_wait3A_32 : memref<640x128xf32, #tpu.memory_space<vmem_shared>>) dst(%dma_wait3A_30 : memref<640x128xf32, #tpu.memory_space<hbm>>)
      tpu.yield
    }) : () -> ()
    return
  }
}

module attributes {stable_mosaic.version = 14 : i64} {
  func.func @_lin1_body(%arg0: i32, %arg1: memref<1000x128xf32, #tpu.memory_space<vmem>>, %arg2: memref<128x128xf32, #tpu.memory_space<vmem>>, %arg3: memref<1x128xf32, #tpu.memory_space<vmem>>, %arg4: memref<1000x128xf32, #tpu.memory_space<vmem>>) attributes {dimension_semantics = [#tpu.dimension_semantics<arbitrary>], iteration_bounds = array<i64: 10>, scalar_prefetch = 0 : i64, scratch_operands = 0 : i64, tpu.core_type = #tpu.core_type<tc>, window_params = [{transform_indices = @transform_0, window_bounds = array<i64: 1000, 128>}, {pipeline_mode = #tpu.pipeline_mode<synchronous>, transform_indices = @transform_1, window_bounds = array<i64: 128, 128>}, {pipeline_mode = #tpu.pipeline_mode<synchronous>, transform_indices = @transform_2, window_bounds = array<i64: 1, 128>}, {transform_indices = @transform_3, window_bounds = array<i64: 1000, 128>}]} {
    %get3A = arith.constant 0 : index
    %get3A_0 = arith.constant 0 : index
    %get3A_1 = vector.load %arg1[%get3A, %get3A_0] : memref<1000x128xf32, #tpu.memory_space<vmem>>, vector<1000x128xf32>
    %get3A_2 = arith.constant 0 : index
    %get3A_3 = arith.constant 0 : index
    %get3A_4 = vector.load %arg2[%get3A_2, %get3A_3] : memref<128x128xf32, #tpu.memory_space<vmem>>, vector<128x128xf32>
    %dot_general3A = arith.constant dense<0.000000e+00> : vector<1000x128xf32>
    %dot_general3A_5 = tpu.matmul %get3A_1, %get3A_4, %dot_general3A {dimension_numbers = #tpu.dot_dimension_numbers<[1], [0], [0], [1], [0, 0, 1, 1], [], []>, precision = #tpu.contract_precision<fp32>, transpose_lhs_hint = false} : vector<1000x128xf32>, vector<128x128xf32>, vector<1000x128xf32> -> vector<1000x128xf32>
    %get3A_6 = arith.constant 0 : index
    %get3A_7 = arith.constant 0 : index
    %get3A_8 = vector.load %arg3[%get3A_6, %get3A_7] : memref<1x128xf32, #tpu.memory_space<vmem>>, vector<1x128xf32>
    %add3A = vector.broadcast %get3A_8 : vector<1x128xf32> to vector<1000x128xf32>
    %add3A_9 = arith.addf %dot_general3A_5, %add3A : vector<1000x128xf32>
    %logistic3A = arith.negf %add3A_9 : vector<1000x128xf32>
    %logistic3A_10 = math.exp %logistic3A : vector<1000x128xf32>
    %logistic3A_11 = arith.constant 1.000000e+00 : f32
    %logistic3A_12 = vector.broadcast %logistic3A_11 : f32 to vector<1000x128xf32>
    %logistic3A_13 = arith.addf %logistic3A_12, %logistic3A_10 : vector<1000x128xf32>
    %logistic3A_14 = arith.divf %logistic3A_12, %logistic3A_13 : vector<1000x128xf32>
    %mul3A = arith.mulf %add3A_9, %logistic3A_14 : vector<1000x128xf32>
    %swap3A = arith.constant 0 : index
    %swap3A_15 = arith.constant 0 : index
    %swap3A_16 = vector.load %arg4[%swap3A, %swap3A_15] : memref<1000x128xf32, #tpu.memory_space<vmem>>, vector<1000x128xf32>
    tpu.vector_store %arg4[%swap3A, %swap3A_15], %mul3A {strides = array<i32>} : memref<1000x128xf32, #tpu.memory_space<vmem>>, vector<1000x128xf32>,
    return
  }
  func.func @transform_0(%arg0: i32) -> (i32, i32) {
    %c0_i32 = arith.constant 0 : i32
    %c0_i32_0 = arith.constant 0 : i32
    return %arg0, %c0_i32 : i32, i32
  }
  func.func @transform_1(%arg0: i32) -> (i32, i32) {
    %c0_i32 = arith.constant 0 : i32
    %c0_i32_0 = arith.constant 0 : i32
    %c0_i32_1 = arith.constant 0 : i32
    return %c0_i32, %c0_i32_0 : i32, i32
  }
  func.func @transform_2(%arg0: i32) -> (i32, i32) {
    %c0_i32 = arith.constant 0 : i32
    %c0_i32_0 = arith.constant 0 : i32
    %c0_i32_1 = arith.constant 0 : i32
    return %c0_i32, %c0_i32_0 : i32, i32
  }
  func.func @transform_3(%arg0: i32) -> (i32, i32) {
    %c0_i32 = arith.constant 0 : i32
    %c0_i32_0 = arith.constant 0 : i32
    return %arg0, %c0_i32 : i32, i32
  }
}

module attributes {stable_mosaic.version = 14 : i64} {
  func.func @_combine_body(%arg0: i32, %arg1: memref<1000x128xf32, #tpu.memory_space<vmem>>, %arg2: memref<2x1000x128xf32, #tpu.memory_space<vmem>>, %arg3: memref<1x1x1000xi32, #tpu.memory_space<vmem>>, %arg4: memref<1x1xf32, #tpu.memory_space<vmem>>, %arg5: memref<128x128xf32, #tpu.memory_space<vmem>>, %arg6: memref<1x128xf32, #tpu.memory_space<vmem>>, %arg7: memref<128x128xf32, #tpu.memory_space<vmem>>, %arg8: memref<1x128xf32, #tpu.memory_space<vmem>>, %arg9: memref<128x128xf32, #tpu.memory_space<vmem>>, %arg10: memref<1x128xf32, #tpu.memory_space<vmem>>, %arg11: memref<128x128xf32, #tpu.memory_space<vmem>>, %arg12: memref<1x128xf32, #tpu.memory_space<vmem>>, %arg13: memref<1x128xf32, #tpu.memory_space<vmem>>, %arg14: memref<1x1xf32, #tpu.memory_space<vmem>>, %arg15: memref<1x64xf32, #tpu.memory_space<vmem>>, %arg16: memref<64x128xf32, #tpu.memory_space<vmem>>) attributes {dimension_semantics = [#tpu.dimension_semantics<arbitrary>], iteration_bounds = array<i64: 10>, scalar_prefetch = 0 : i64, scratch_operands = 1 : i64, tpu.core_type = #tpu.core_type<tc>, window_params = [{transform_indices = @transform_0, window_bounds = array<i64: 1000, 128>}, {transform_indices = @transform_1, window_bounds = array<i64: 2, 1000, 128>}, {transform_indices = @transform_2, window_bounds = array<i64: 1, 1, 1000>}, {pipeline_mode = #tpu.pipeline_mode<synchronous>, transform_indices = @transform_3, window_bounds = array<i64: 1, 1>}, {pipeline_mode = #tpu.pipeline_mode<synchronous>, transform_indices = @transform_4, window_bounds = array<i64: 128, 128>}, {pipeline_mode = #tpu.pipeline_mode<synchronous>, transform_indices = @transform_5, window_bounds = array<i64: 1, 128>}, {pipeline_mode = #tpu.pipeline_mode<synchronous>, transform_indices = @transform_6, window_bounds = array<i64: 128, 128>}, {pipeline_mode = #tpu.pipeline_mode<synchronous>, transform_indices = @transform_7, window_bounds = array<i64: 1, 128>}, {pipeline_mode = #tpu.pipeline_mode<synchronous>, transform_indices = @transform_8, window_bounds = array<i64: 128, 128>}, {pipeline_mode = #tpu.pipeline_mode<synchronous>, transform_indices = @transform_9, window_bounds = array<i64: 1, 128>}, {pipeline_mode = #tpu.pipeline_mode<synchronous>, transform_indices = @transform_10, window_bounds = array<i64: 128, 128>}, {pipeline_mode = #tpu.pipeline_mode<synchronous>, transform_indices = @transform_11, window_bounds = array<i64: 1, 128>}, {pipeline_mode = #tpu.pipeline_mode<synchronous>, transform_indices = @transform_12, window_bounds = array<i64: 1, 128>}, {pipeline_mode = #tpu.pipeline_mode<synchronous>, transform_indices = @transform_13, window_bounds = array<i64: 1, 1>}, {pipeline_mode = #tpu.pipeline_mode<synchronous>, transform_indices = @transform_14, window_bounds = array<i64: 1, 64>}]} {
    %get3A = arith.constant 0 : index
    %get3A_0 = arith.constant 0 : index
    %get3A_1 = vector.load %arg4[%get3A, %get3A_0] : memref<1x1xf32, #tpu.memory_space<vmem>>, vector<1x1xf32>
    %get3A_2 = vector.extract %get3A_1[0, 0] : f32 from vector<1x1xf32>
    %add3A = arith.constant 1.000000e+00 : f32
    %add3A_3 = arith.addf %add3A, %get3A_2 : f32
    %get3A_4 = arith.constant 0 : index
    %get3A_5 = arith.constant 0 : index
    %get3A_6 = vector.load %arg1[%get3A_4, %get3A_5] : memref<1000x128xf32, #tpu.memory_space<vmem>>, vector<1000x128xf32>
    %mul3A = vector.broadcast %add3A_3 : f32 to vector<1000x128xf32>
    %mul3A_7 = arith.mulf %mul3A, %get3A_6 : vector<1000x128xf32>
    %get3A_8 = arith.constant 0 : index
    %get3A_9 = arith.constant 0 : index
    %get3A_10 = arith.constant 0 : index
    %get3A_11 = vector.load %arg2[%get3A_8, %get3A_9, %get3A_10] : memref<2x1000x128xf32, #tpu.memory_space<vmem>>, vector<1x1000x128xf32>
    %get3A_12 = vector.shape_cast %get3A_11 : vector<1x1000x128xf32> to vector<1000x128xf32>
    %add3A_13 = arith.addf %mul3A_7, %get3A_12 : vector<1000x128xf32>
    %get3A_14 = arith.constant 1 : index
    %get3A_15 = arith.constant 0 : index
    %get3A_16 = arith.constant 0 : index
    %get3A_17 = vector.load %arg2[%get3A_14, %get3A_15, %get3A_16] : memref<2x1000x128xf32, #tpu.memory_space<vmem>>, vector<1x1000x128xf32>
    %get3A_18 = vector.shape_cast %get3A_17 : vector<1x1000x128xf32> to vector<1000x128xf32>
    %add3A_19 = arith.addf %add3A_13, %get3A_18 : vector<1000x128xf32>
    %get3A_20 = arith.constant 0 : index
    %get3A_21 = arith.constant 0 : index
    %get3A_22 = vector.load %arg5[%get3A_20, %get3A_21] : memref<128x128xf32, #tpu.memory_space<vmem>>, vector<128x128xf32>
    %dot_general3A = arith.constant dense<0.000000e+00> : vector<1000x128xf32>
    %dot_general3A_23 = tpu.matmul %add3A_19, %get3A_22, %dot_general3A {dimension_numbers = #tpu.dot_dimension_numbers<[1], [0], [0], [1], [0, 0, 1, 1], [], []>, precision = #tpu.contract_precision<fp32>, transpose_lhs_hint = false} : vector<1000x128xf32>, vector<128x128xf32>, vector<1000x128xf32> -> vector<1000x128xf32>
    %get3A_24 = arith.constant 0 : index
    %get3A_25 = arith.constant 0 : index
    %get3A_26 = vector.load %arg6[%get3A_24, %get3A_25] : memref<1x128xf32, #tpu.memory_space<vmem>>, vector<1x128xf32>
    %add3A_27 = vector.broadcast %get3A_26 : vector<1x128xf32> to vector<1000x128xf32>
    %add3A_28 = arith.addf %dot_general3A_23, %add3A_27 : vector<1000x128xf32>
    %max3A = arith.constant 0.000000e+00 : f32
    %max3A_29 = vector.broadcast %max3A : f32 to vector<1000x128xf32>
    %max3A_30 = arith.maximumf %add3A_28, %max3A_29 : vector<1000x128xf32>
    %get3A_31 = arith.constant 0 : index
    %get3A_32 = arith.constant 0 : index
    %get3A_33 = vector.load %arg7[%get3A_31, %get3A_32] : memref<128x128xf32, #tpu.memory_space<vmem>>, vector<128x128xf32>
    %dot_general3A_34 = arith.constant dense<0.000000e+00> : vector<1000x128xf32>
    %dot_general3A_35 = tpu.matmul %max3A_30, %get3A_33, %dot_general3A_34 {dimension_numbers = #tpu.dot_dimension_numbers<[1], [0], [0], [1], [0, 0, 1, 1], [], []>, precision = #tpu.contract_precision<fp32>, transpose_lhs_hint = false} : vector<1000x128xf32>, vector<128x128xf32>, vector<1000x128xf32> -> vector<1000x128xf32>
    %get3A_36 = arith.constant 0 : index
    %get3A_37 = arith.constant 0 : index
    %get3A_38 = vector.load %arg8[%get3A_36, %get3A_37] : memref<1x128xf32, #tpu.memory_space<vmem>>, vector<1x128xf32>
    %add3A_39 = vector.broadcast %get3A_38 : vector<1x128xf32> to vector<1000x128xf32>
    %add3A_40 = arith.addf %dot_general3A_35, %add3A_39 : vector<1000x128xf32>
    %get3A_41 = arith.constant 0 : index
    %get3A_42 = arith.constant 0 : index
    %get3A_43 = arith.constant 0 : index
    %get3A_44 = vector.load %arg3[%get3A_41, %get3A_42, %get3A_43] : memref<1x1x1000xi32, #tpu.memory_space<vmem>>, vector<1x1x1000xi32>
    %get3A_45 = vector.shape_cast %get3A_44 : vector<1x1x1000xi32> to vector<1000xi32>
    %broadcast_in_dim3A = vector.shape_cast %get3A_45 : vector<1000xi32> to vector<1000x1xi32>
    %iota3A = tpu.iota {dimensions = array<i32: 1>} : vector<1x64xi32>
    %eq3A = vector.broadcast %broadcast_in_dim3A : vector<1000x1xi32> to vector<1000x64xi32>
    %eq3A_46 = vector.broadcast %iota3A : vector<1x64xi32> to vector<1000x64xi32>
    %eq3A_47 = arith.cmpi eq, %eq3A, %eq3A_46 : vector<1000x64xi32>
    %convert_element_type3A = arith.extui %eq3A_47 : vector<1000x64xi1> to vector<1000x64xi32>
    %convert_element_type3A_48 = arith.sitofp %convert_element_type3A : vector<1000x64xi32> to vector<1000x64xf32>
    %dot_general3A_49 = arith.constant dense<0.000000e+00> : vector<64x128xf32>
    %dot_general3A_50 = tpu.matmul %convert_element_type3A_48, %add3A_40, %dot_general3A_49 {dimension_numbers = #tpu.dot_dimension_numbers<[0], [0], [1], [1], [0, 1, 1, 1], [], []>, precision = #tpu.contract_precision<fp32>, transpose_lhs_hint = false} : vector<1000x64xf32>, vector<1000x128xf32>, vector<64x128xf32> -> vector<64x128xf32>
    %eq3A_51 = arith.constant 0 : i32
    %eq3A_52 = arith.cmpi eq, %arg0, %eq3A_51 : i32
    %convert_element_type3A_53 = arith.extui %eq3A_52 : i1 to i32
    %cond3A = arith.constant 0 : i32
    %cond3A_54 = arith.cmpi ne, %convert_element_type3A_53, %cond3A : i32
    scf.if %cond3A_54 {
      %broadcast_in_dim3A_66 = arith.constant 0.000000e+00 : f32
      %broadcast_in_dim3A_67 = vector.broadcast %broadcast_in_dim3A_66 : f32 to vector<64x128xf32>
      %swap3A_68 = arith.constant 0 : index
      %swap3A_69 = arith.constant 0 : index
      %swap3A_70 = vector.load %arg16[%swap3A_68, %swap3A_69] : memref<64x128xf32, #tpu.memory_space<vmem>>, vector<64x128xf32>
      tpu.vector_store %arg16[%swap3A_68, %swap3A_69], %broadcast_in_dim3A_67 {strides = array<i32>} : memref<64x128xf32, #tpu.memory_space<vmem>>, vector<64x128xf32>,
    } else {
    }
    %get3A_55 = arith.constant 0 : index
    %get3A_56 = arith.constant 0 : index
    %get3A_57 = vector.load %arg16[%get3A_55, %get3A_56] : memref<64x128xf32, #tpu.memory_space<vmem>>, vector<64x128xf32>
    %add3A_58 = arith.addf %get3A_57, %dot_general3A_50 : vector<64x128xf32>
    %swap3A = arith.constant 0 : index
    %swap3A_59 = arith.constant 0 : index
    %swap3A_60 = vector.load %arg16[%swap3A, %swap3A_59] : memref<64x128xf32, #tpu.memory_space<vmem>>, vector<64x128xf32>
    tpu.vector_store %arg16[%swap3A, %swap3A_59], %add3A_58 {strides = array<i32>} : memref<64x128xf32, #tpu.memory_space<vmem>>, vector<64x128xf32>,
    %eq3A_61 = arith.constant 9 : i32
    %eq3A_62 = arith.cmpi eq, %arg0, %eq3A_61 : i32
    %convert_element_type3A_63 = arith.extui %eq3A_62 : i1 to i32
    %cond3A_64 = arith.constant 0 : i32
    %cond3A_65 = arith.cmpi ne, %convert_element_type3A_63, %cond3A_64 : i32
    scf.if %cond3A_65 {
      %get3A_66 = arith.constant 0 : index
      %get3A_67 = arith.constant 0 : index
      %get3A_68 = vector.load %arg9[%get3A_66, %get3A_67] : memref<128x128xf32, #tpu.memory_space<vmem>>, vector<128x128xf32>
      %dot_general3A_69 = arith.constant dense<0.000000e+00> : vector<64x128xf32>
      %dot_general3A_70 = tpu.matmul %add3A_58, %get3A_68, %dot_general3A_69 {dimension_numbers = #tpu.dot_dimension_numbers<[1], [0], [0], [1], [0, 0, 1, 1], [], []>, precision = #tpu.contract_precision<fp32>, transpose_lhs_hint = false} : vector<64x128xf32>, vector<128x128xf32>, vector<64x128xf32> -> vector<64x128xf32>
      %get3A_71 = arith.constant 0 : index
      %get3A_72 = arith.constant 0 : index
      %get3A_73 = vector.load %arg10[%get3A_71, %get3A_72] : memref<1x128xf32, #tpu.memory_space<vmem>>, vector<1x128xf32>
      %add3A_74 = vector.broadcast %get3A_73 : vector<1x128xf32> to vector<64x128xf32>
      %add3A_75 = arith.addf %dot_general3A_70, %add3A_74 : vector<64x128xf32>
      %ge3A = arith.constant 0.000000e+00 : f32
      %ge3A_76 = vector.broadcast %ge3A : f32 to vector<64x128xf32>
      %ge3A_77 = arith.cmpf oge, %add3A_75, %ge3A_76 : vector<64x128xf32>
      %mul3A_78 = arith.constant 0.00999999977 : f32
      %mul3A_79 = vector.broadcast %mul3A_78 : f32 to vector<64x128xf32>
      %mul3A_80 = arith.mulf %mul3A_79, %add3A_75 : vector<64x128xf32>
      %select_n3A = arith.select %ge3A_77, %add3A_75, %mul3A_80 : vector<64x128xi1>, vector<64x128xf32>
      %get3A_81 = arith.constant 0 : index
      %get3A_82 = arith.constant 0 : index
      %get3A_83 = vector.load %arg11[%get3A_81, %get3A_82] : memref<128x128xf32, #tpu.memory_space<vmem>>, vector<128x128xf32>
      %dot_general3A_84 = arith.constant dense<0.000000e+00> : vector<64x128xf32>
      %dot_general3A_85 = tpu.matmul %select_n3A, %get3A_83, %dot_general3A_84 {dimension_numbers = #tpu.dot_dimension_numbers<[1], [0], [0], [1], [0, 0, 1, 1], [], []>, precision = #tpu.contract_precision<fp32>, transpose_lhs_hint = false} : vector<64x128xf32>, vector<128x128xf32>, vector<64x128xf32> -> vector<64x128xf32>
      %get3A_86 = arith.constant 0 : index
      %get3A_87 = arith.constant 0 : index
      %get3A_88 = vector.load %arg12[%get3A_86, %get3A_87] : memref<1x128xf32, #tpu.memory_space<vmem>>, vector<1x128xf32>
      %add3A_89 = vector.broadcast %get3A_88 : vector<1x128xf32> to vector<64x128xf32>
      %add3A_90 = arith.addf %dot_general3A_85, %add3A_89 : vector<64x128xf32>
      %ge3A_91 = arith.constant 0.000000e+00 : f32
      %ge3A_92 = vector.broadcast %ge3A_91 : f32 to vector<64x128xf32>
      %ge3A_93 = arith.cmpf oge, %add3A_90, %ge3A_92 : vector<64x128xf32>
      %mul3A_94 = arith.constant 0.00999999977 : f32
      %mul3A_95 = vector.broadcast %mul3A_94 : f32 to vector<64x128xf32>
      %mul3A_96 = arith.mulf %mul3A_95, %add3A_90 : vector<64x128xf32>
      %select_n3A_97 = arith.select %ge3A_93, %add3A_90, %mul3A_96 : vector<64x128xi1>, vector<64x128xf32>
      %get3A_98 = arith.constant 0 : index
      %get3A_99 = arith.constant 0 : index
      %get3A_100 = vector.load %arg13[%get3A_98, %get3A_99] : memref<1x128xf32, #tpu.memory_space<vmem>>, vector<1x128xf32>
      %dot_general3A_101 = arith.constant dense<0.000000e+00> : vector<1x64xf32>
      %dot_general3A_102 = tpu.matmul %get3A_100, %select_n3A_97, %dot_general3A_101 {dimension_numbers = #tpu.dot_dimension_numbers<[1], [1], [0], [0], [0, 0, 1, 0], [], []>, precision = #tpu.contract_precision<fp32>, transpose_lhs_hint = false} : vector<1x128xf32>, vector<64x128xf32>, vector<1x64xf32> -> vector<1x64xf32>
      %get3A_103 = arith.constant 0 : index
      %get3A_104 = arith.constant 0 : index
      %get3A_105 = vector.load %arg14[%get3A_103, %get3A_104] : memref<1x1xf32, #tpu.memory_space<vmem>>, vector<1x1xf32>
      %add3A_106 = vector.broadcast %get3A_105 : vector<1x1xf32> to vector<1x64xf32>
      %add3A_107 = arith.addf %dot_general3A_102, %add3A_106 : vector<1x64xf32>
      %swap3A_108 = arith.constant 0 : index
      %swap3A_109 = arith.constant 0 : index
      %swap3A_110 = vector.load %arg15[%swap3A_108, %swap3A_109] : memref<1x64xf32, #tpu.memory_space<vmem>>, vector<1x64xf32>
      tpu.vector_store %arg15[%swap3A_108, %swap3A_109], %add3A_107 {strides = array<i32>} : memref<1x64xf32, #tpu.memory_space<vmem>>, vector<1x64xf32>,
    } else {
    }
    return
  }
  func.func @transform_0(%arg0: i32) -> (i32, i32) {
    %c0_i32 = arith.constant 0 : i32
    %c0_i32_0 = arith.constant 0 : i32
    return %arg0, %c0_i32 : i32, i32
  }
  func.func @transform_1(%arg0: i32) -> (i32, i32, i32) {
    %c0_i32 = arith.constant 0 : i32
    %c0_i32_0 = arith.constant 0 : i32
    %c0_i32_1 = arith.constant 0 : i32
    return %c0_i32, %arg0, %c0_i32_0 : i32, i32, i32
  }
  func.func @transform_2(%arg0: i32) -> (i32, i32, i32) {
    %c0_i32 = arith.constant 0 : i32
    %c0_i32_0 = arith.constant 0 : i32
    %c0_i32_1 = arith.constant 0 : i32
    return %arg0, %c0_i32, %c0_i32_0 : i32, i32, i32
  }
  func.func @transform_3(%arg0: i32) -> (i32, i32) {
    %c0_i32 = arith.constant 0 : i32
    %c0_i32_0 = arith.constant 0 : i32
    %c0_i32_1 = arith.constant 0 : i32
    return %c0_i32, %c0_i32_0 : i32, i32
  }
  func.func @transform_4(%arg0: i32) -> (i32, i32) {
    %c0_i32 = arith.constant 0 : i32
    %c0_i32_0 = arith.constant 0 : i32
    %c0_i32_1 = arith.constant 0 : i32
    return %c0_i32, %c0_i32_0 : i32, i32
  }
  func.func @transform_5(%arg0: i32) -> (i32, i32) {
    %c0_i32 = arith.constant 0 : i32
    %c0_i32_0 = arith.constant 0 : i32
    %c0_i32_1 = arith.constant 0 : i32
    return %c0_i32, %c0_i32_0 : i32, i32
  }
  func.func @transform_6(%arg0: i32) -> (i32, i32) {
    %c0_i32 = arith.constant 0 : i32
    %c0_i32_0 = arith.constant 0 : i32
    %c0_i32_1 = arith.constant 0 : i32
    return %c0_i32, %c0_i32_0 : i32, i32
  }
  func.func @transform_7(%arg0: i32) -> (i32, i32) {
    %c0_i32 = arith.constant 0 : i32
    %c0_i32_0 = arith.constant 0 : i32
    %c0_i32_1 = arith.constant 0 : i32
    return %c0_i32, %c0_i32_0 : i32, i32
  }
  func.func @transform_8(%arg0: i32) -> (i32, i32) {
    %c0_i32 = arith.constant 0 : i32
    %c0_i32_0 = arith.constant 0 : i32
    %c0_i32_1 = arith.constant 0 : i32
    return %c0_i32, %c0_i32_0 : i32, i32
  }
  func.func @transform_9(%arg0: i32) -> (i32, i32) {
    %c0_i32 = arith.constant 0 : i32
    %c0_i32_0 = arith.constant 0 : i32
    %c0_i32_1 = arith.constant 0 : i32
    return %c0_i32, %c0_i32_0 : i32, i32
  }
  func.func @transform_10(%arg0: i32) -> (i32, i32) {
    %c0_i32 = arith.constant 0 : i32
    %c0_i32_0 = arith.constant 0 : i32
    %c0_i32_1 = arith.constant 0 : i32
    return %c0_i32, %c0_i32_0 : i32, i32
  }
  func.func @transform_11(%arg0: i32) -> (i32, i32) {
    %c0_i32 = arith.constant 0 : i32
    %c0_i32_0 = arith.constant 0 : i32
    %c0_i32_1 = arith.constant 0 : i32
    return %c0_i32, %c0_i32_0 : i32, i32
  }
  func.func @transform_12(%arg0: i32) -> (i32, i32) {
    %c0_i32 = arith.constant 0 : i32
    %c0_i32_0 = arith.constant 0 : i32
    %c0_i32_1 = arith.constant 0 : i32
    return %c0_i32, %c0_i32_0 : i32, i32
  }
  func.func @transform_13(%arg0: i32) -> (i32, i32) {
    %c0_i32 = arith.constant 0 : i32
    %c0_i32_0 = arith.constant 0 : i32
    %c0_i32_1 = arith.constant 0 : i32
    return %c0_i32, %c0_i32_0 : i32, i32
  }
  func.func @transform_14(%arg0: i32) -> (i32, i32) {
    %c0_i32 = arith.constant 0 : i32
    %c0_i32_0 = arith.constant 0 : i32
    %c0_i32_1 = arith.constant 0 : i32
    return %c0_i32, %c0_i32_0 : i32, i32
  }
}

</mosaic_0001>

<sc_bundles>
// kernel: kernel.5.cloned.1.call-start
scs
__scs_entry_jumppad:
0x0: {  	(pc) =	sbr.rel $0x88, $3  }
0x1: {  	(tag) =	ssettag $0x0;
	lr =	simm.s32 $0x1  }
0x2: {  	[smem:$0x3F8C] =	sst lr;
	_ =	strace $0xD0000000  }
0x3: {  	_ = 	snop  }
0x4: {  	_ = 	snop  }
0x5: {  	_ = 	snop  }
0x6: {  	_ = 	snop  }
0x7: {  	_ = 	snop  }
__scs_overlays_trampoline_lowered:
0x8: {  	[smem:$0x3F9B] =	sst s0  }
0x9: {  	[smem:$0x3F9C] =	sst s1  }
0xa: {  	[smem:$0x3F9D] =	sst s2  }
0xb: {  	[smem:$0x3F9E] =	sst s3  }
0xc: {  	[smem:$0x3F9F] =	sst s4  }
0xd: {  	[smem:$0x3FA0] =	sst s5  }
0xe: {  	[smem:$0x3FA1] =	sst s6  }
0xf: {  	[smem:$0x3FA2] =	sst s7  }
0x10: {  	[smem:$0x3FA3] =	sst s8  }
0x11: {  	[smem:$0x3FA4] =	sst s9;
	s0 =	simm.s32 @!p0 $0x0  }
0x12: {  	s1 =	sld [smem:$0x3F8A];
	s0 =	simm.s32 @p0 $0x1  }
0x13: {  	[smem:$0x3FA5] =	sst s0;
	s0 =	simm.s32 @!p1 $0x0  }
0x14: {  	s2 =	sld [smem:$0x3F89];
	s0 =	simm.s32 @p1 $0x1  }
0x15: {  	[smem:$0x3FA6] =	sst s0;
	s0 =	simm.s32 @!p2 $0x0  }
0x16: {  	s3 =	sld [smem:$0x3FDB];
	s0 =	simm.s32 @p2 $0x1  }
0x17: {  	s4 =	simm.s32 $0x1BF5;
	[smem:$0x3FA8] =	sst s0  }
0x18: {  	s0 =	sld [smem:$0x3F8B];
	_ =	swait.ge [sflag:s4], $0x0  }
0x19: {  	s7 =	sld [smem:$0x3F8C]  }
0x1a: {  	s8 =	sadd.s32 $0xFFFFE003, lr  }
0x1b: {  	s9 =	sadd.s32 $0xFFFFFEF7, lr;
	s5 =	simm.s32 $0xFFFFFFFF;
	p2 =	slt.u32 s8, $0xFFFFF086  }
0x1c: {  	p1 =	slt.u32 s9, $0xF7A;
	s5 =	simm.s32 @!p2 $0x0  }
0x1d: {  	s5 =	simm.s32 @p1 $0x1;
	p0 =	seq.s32 s7, s2  }
0x1e: {  	s7 =	smul.u32 @!p0 $0xF7A, s2;
	p2 =	seq.s32 @!p0 s5, $0x0  }
0x1f: {  	s9 =	smul.u32 $0xF7A, s1;
	s8 =	simm.s32 @!p0 $0x1BF5;
	p2 =	por !p2, p0  }
0x20: {  	[sflag:s8] =	ssyncset.s32 @!p0 $0xFFFFF086;
	s6 =	sadd.s32 @!p0 s3, s7;
	s7 =	simm.s32 @!p0 $0x108  }
0x21: {  	s3 =	sadd.s32 s3, s9;
	s6 =	sadd.s32 @!p0 $0x88, s6;
	s7 =	simm.s32 @p2 $0x1082  }
0x22: {  	[simem:s7], [sflag:s8] =	dma.local @!p0 [hbm:s6], $0xF7A  }
0x23: {  	s9 =	sor.u32 $0xD0000000, s2;
	s6 =	simm.s32 $0x108;
	_ =	swait.ge @!p0 [sflag:s8], $0x0  }
0x24: {  	s3 =	sadd.s32 $0x88, s3;
	s6 =	simm.s32 @!p1 $0x1082;
	[sflag:s4] =	ssyncset.s32 $0xFFFFF086  }
0x25: {  	[simem:s6], [sflag:s4] =	dma.local [hbm:s3], $0xF7A  }
0x26: {  	[smem:$0x3F8C] =	sst s1;
	(tag) =	ssettag s2;
	_ =	strace s9  }
0x27: {  	s1 =	sld [smem:$0x3F9C]  }
0x28: {  	s2 =	sld [smem:$0x3F9D]  }
0x29: {  	s4 =	sld [smem:$0x3F9F]  }
0x2a: {  	p0 =	seq.s32 s5, $0x0;
	s5 =	sld [smem:$0x3FA0]  }
0x2b: {  	s6 =	sld [smem:$0x3FA1]  }
0x2c: {  	s7 =	sld [smem:$0x3FA2]  }
0x2d: {  	s3 =	simm.s32 $0x108;
	s8 =	sld [smem:$0x3FA3]  }
0x2e: {  	s3 =	simm.s32 @!p0 $0x1082;
	s9 =	sld [smem:$0x3FA4]  }
0x2f: {  	lr =	sadd.s32 s0, s3;
	s0 =	sld [smem:$0x3F9B]  }
0x30: {  	s3 =	sld [smem:$0x3F9E]  }
0x31: {  	[smem:$0x3FA7] =	sst s10  }
0x32: {  	s10 =	sld [smem:$0x3FA5];
	_ =	sdelay $0x3  }
0x33: {  	p0 =	seq.s32 s10, $0x1;
	s10 =	sld [smem:$0x3FA7];
	_ =	sdelay $0x3  }
0x34: {  	[smem:$0x3FA7] =	sst s10  }
0x35: {  	s10 =	sld [smem:$0x3FA6];
	_ =	sdelay $0x3  }
0x36: {  	p1 =	seq.s32 s10, $0x1;
	s10 =	sld [smem:$0x3FA7];
	_ =	sdelay $0x3  }
0x37: {  	[smem:$0x3FA7] =	sst s10  }
0x38: {  	s10 =	sld [smem:$0x3FA8]  }
0x39: {  	_ = 	snop;
	(pc) =	sbr.ind lr, $3  }
0x3a: {  	_ = 	snop  }
0x3b: {  	_ = 	snop  }
0x3c: {  	p2 =	seq.s32 s10, $0x1;
	s10 =	sld [smem:$0x3FA7]  }
0x3d: {  	_ =	shalt  }
0x3e: {  	_ =	shalt  }
0x3f: {  	_ =	shalt  }
0x40: {  	_ =	shalt  }
0x41: {  	_ =	shalt  }
0x42: {  	_ =	shalt  }
0x43: {  	_ =	shalt  }
0x44: {  	_ =	shalt  }
0x45: {  	_ =	shalt  }
0x46: {  	_ =	shalt  }
0x47: {  	_ =	shalt  }
0x48: {  	_ =	shalt  }
0x49: {  	_ =	shalt  }
0x4a: {  	_ =	shalt  }
0x4b: {  	_ =	shalt  }
0x4c: {  	_ =	shalt  }
0x4d: {  	_ =	shalt  }
0x4e: {  	_ =	shalt  }
0x4f: {  	_ =	shalt  }
0x50: {  	_ =	shalt  }
0x51: {  	_ =	shalt  }
0x52: {  	_ =	shalt  }
0x53: {  	_ =	shalt  }
0x54: {  	_ =	shalt  }
0x55: {  	_ =	shalt  }
0x56: {  	_ =	shalt  }
0x57: {  	_ =	shalt  }
0x58: {  	_ =	shalt  }
0x59: {  	_ =	shalt  }
0x5a: {  	_ =	shalt  }
0x5b: {  	_ =	shalt  }
0x5c: {  	_ =	shalt  }
0x5d: {  	_ =	shalt  }
0x5e: {  	_ =	shalt  }
0x5f: {  	_ =	shalt  }
0x60: {  	_ =	shalt  }
0x61: {  	_ =	shalt  }
0x62: {  	_ =	shalt  }
0x63: {  	_ =	shalt  }
0x64: {  	_ =	shalt  }
0x65: {  	_ =	shalt  }
0x66: {  	_ =	shalt  }
0x67: {  	_ =	shalt  }
0x68: {  	_ =	shalt  }
0x69: {  	_ =	shalt  }
0x6a: {  	_ =	shalt  }
0x6b: {  	_ =	shalt  }
0x6c: {  	_ =	shalt  }
0x6d: {  	_ =	shalt  }
0x6e: {  	_ =	shalt  }
0x6f: {  	_ =	shalt  }
0x70: {  	_ =	shalt  }
0x71: {  	_ =	shalt  }
0x72: {  	_ =	shalt  }
0x73: {  	_ =	shalt  }
0x74: {  	_ =	shalt  }
0x75: {  	_ =	shalt  }
0x76: {  	_ =	shalt  }
0x77: {  	_ =	shalt  }
0x78: {  	_ =	shalt  }
0x79: {  	_ =	shalt  }
0x7a: {  	_ =	shalt  }
0x7b: {  	_ =	shalt  }
0x7c: {  	_ =	shalt  }
0x7d: {  	_ =	shalt  }
0x7e: {  	_ =	shalt  }
0x7f: {  	_ =	shalt  }
0x80: {  	_ =	shalt  }
0x81: {  	_ =	shalt  }
0x82: {  	_ =	shalt  }
0x83: {  	_ =	shalt  }
0x84: {  	_ =	shalt  }
0x85: {  	_ =	shalt  }
0x86: {  	_ =	shalt  }
0x87: {  	_ =	shalt  }
.Lfunc_end0:
.L_simem_size_0:
called_computation_lowered:
.L_overlay_start_0:
0x88: {  	s2 =	sld [smem:$0x3FD9]  }
0x89: {  	s3 =	sld [smem:$0x3FFE];
	_ =	sdelay $0x1  }
0x8a: {  	s1 =	srdreg.scid  }
0x8b: {  	s0 =	sand.u32 $0x1, s1  }
0x8c: {  	s16 =	sshll.u32 s0, $0xA;
	s2 =	sadd.s32 s3, s2  }
0x8d: {  	s2 =	sadd.s32 s2, s16  }
0x8e: {  	[smem:$0x3FB3] =	sst s2  }
0x8f: {  	_ = 	snop  }
0x90: {  	(tm) =	ssettm $0x1  }
0x91: {  	s17 =	sld [smem:$0x3FFB];
	_ =	sdelay $0x3  }
0x92: {  	_ =	strace s17  }
0x93: {  	s2 =	sld [smem:$0x3FFC];
	_ =	sdelay $0x3  }
0x94: {  	_ =	strace s2  }
0x95: {  	s2 =	sld [smem:$0x3FFD];
	_ =	sdelay $0x3  }
0x96: {  	_ =	strace s2  }
0x97: {  	_ =	strace $0x8FFFFFFF  }
0x98: {  	s18 =	sld [smem:$0x3FDB];
	_ =	sdelay $0x1  }
0x99: {  	s19 =	simm.s32 $_scs_section_size  }
0x9a: {  	s4 =	simm.s32 $_size__tile_overlayer_lowered;
	s5 =	simm.s32 $_tile_overlayer_lowered  }
0x9b: {  	s22 =	simm.s32 $0x1BFF;
	s21 =	sshll.u32 s5, $0x1;
	s2 =	sadd.s32 s19, s18  }
0x9c: {  	s6 =	simm.s32 $0x0;
	s20 =	sshll.u32 s4, $0x1;
	s4 =	sadd.s32 s21, s2  }
0x9d: {  	[timem:s6], [sflag:s22] =	dma.local [hbm:s4], s20  }
0x9e: {  	_ =	swait.ge [sflag:s22], s20  }
0x9f: {  	s3 =	ssub.s32 $0x0, s20;
	[sflag:s22] =	ssyncset.done $0x0  }
0xa0: {  	[sflag:s22] =	ssyncadd.s32 s3;
	_ =	sdelay $0x1  }
0xa1: {  	s23 =	simm.s32 $0x1B8B  }
0xa2: {  	_ =	swait.ge [sflag:s23], $0x1  }
0xa3: {  	[sflag:s23] =	ssyncset.done $0x0  }
0xa4: {  	s25 =	simm.s32 $0x1B8E;
	s24 =	sld [smem:$0x3FFE];
	[sflag:s23] =	ssyncadd.s32 $0xFFFFFFFF  }
0xa5: {  	s26 =	simm.s32 $execute0_lowered;
	[smem:$0x3FD2] =	sst s25  }
0xa6: {  	s4 =	sshll.u32 s26, $0x1;
	_ =	strace $0x80000046;
	[dreg:$0x1] =	wrdreg $0xFFFFFFFF  }
0xa7: {  	s28 =	simm.s32 $_size_execute0_lowered;
	s2 =	sadd.s32 s2, s4;
	[dreg:$0x0] =	wrdreg $0x0  }
0xa8: {  	s4 =	sshll.u32 s28, $0x1;
	[dreg:$0x2] =	wrdreg s2  }
0xa9: {  	[dreg:$0x3] =	wrdreg s4  }
0xaa: {  	[dreg:$0x4] =	wrdreg $0xC0  }
0xab: {  	_ =	task [dreg:s6], $0x5FFFF  }
0xac: {  	[dreg:$0x1] =	wrdreg $0xFFFFFFFF  }
0xad: {  	[dreg:$0x0] =	wrdreg $0x60  }
0xae: {  	[dreg:$0x2] =	wrdreg s24  }
0xaf: {  	[dreg:$0x3] =	wrdreg $0xA8000  }
0xb0: {  	[dreg:$0x4] =	wrdreg $0x9  }
0xb1: {  	_ =	task.clear_ibuf [dreg:s6], $0x5FFFF;
	_ =	strace $0x90000046  }
0xb2: {  	s29 =	simm.s32 $0x9;
	_ =	strace $0x80000048  }
0xb3: {  	_ =	swait.ge [sflag:s29], $0x1  }
0xb4: {  	[sflag:s29] =	ssyncadd.s32 $0xFFFFFFFF  }
0xb5: {  	_ =	strace $0x90000048  }
0xb6: {  	_ =	sfence  }
0xb7: {  	s30 =	sld [smem:$0x0];
	_ =	sdelay $0x2  }
0xb8: {  	s31 =	sshll.u32 s1, $0xD;
	s1 =	sshrl.u32 s1, $0x2  }
0xb9: {  	s3 =	sand.u32 $0x4000, s31;
	s1 =	sadd.s32 s1, s30  }
0xba: {  	s0 =	sor.u32 s3, s0;
	s1 =	sshll.u32 s1, $0x11  }
0xbb: {  	s0 =	sor.u32 s1, s0  }
0xbc: {  	s0 =	sadd.s32 $0x8F2B, s0  }
0xbd: {  	[sflag:s0] =	ssyncadd.remote.s32 $0x1  }
0xbe: {  	_ =	sfence.sel $0xFFFF  }
0xbf: {  	[dreg:$0x0] =	wrdreg $0xFFFFFFFF;
	(pc) =	sbr.abs _section_cstart, $3  }
0xc0: {  	[dreg:$0x1] =	wrdreg $0xFFFFFFFF  }
0xc1: {  	_ =	task.clear_ibuf [dreg:s6], $0x2FFFF;
	_ =	strace $0x9FFFFFFF  }
0xc2: {  	(tm) =	ssettm $0x7FFFFFFF  }
0xc3: {  	_ =	shalt  }
tec
execute0_lowered:
.L_overlay_start_1:
0x0: {  	(tag) =	ssettag $0x1  }
0x1: {  	s0 =	rddreg [dreg:$0x0]  }
0x2: {  	s1 =	srdreg.scid;
	s9 =	stileid.u32  }
0x3: {  	s2 =	rddreg [dreg:$0x1];
	s4 =	simm.s32 $0x0;
	s5 =	smul.u32 $0x14000, s9  }
0x4: {  	s1 =	sand.u32 $0x1, s1;
	[smem:$0x7FF] =	sst s4;
	s26 =	smul.u32 $0x50000, s9  }
0x5: {  	s4 =	sadd.s32 $0x1C00, s0;
	s6 =	sadd.s32 $0x28E00, s0;
	s3 =	smul.u32 $0x140000, s1  }
0x6: {  	s7 =	sadd.s32 $0x32E00, s0;
	s9 =	sshll.u32 s9, $0x1;
	_ =	strace $0x80000047  }
0x7: {  	s10 =	ssub.s32 $0x2, s1;
	s3 =	sadd.s32 s5, s3;
	s5 =	sshrl.u32 s26, $0x2  }
0x8: {  	s1 =	sor.u32 s1, s9;
	s9 =	simm.s32 $0x6800;
	s5 =	sadd.s32 s5, s2  }
0x9: {  	s8 =	sshrl.u32 s10, $0x1;
	s1 =	smul.u32 $0x2800, s1;
	s12 =	sadd.s32 $0x1000, s5  }
0xa: {  	s3 =	sshrl.u32 s3, $0x3;
	s13 =	sadd.s32 $0x2000, s5;
	[dreg:$0x5] =	wrdreg s12  }
0xb: {  	s23 =	sshrl.u32 s1, $0x3;
	s14 =	sadd.s32 $0x3000, s5;
	[dreg:$0x6] =	wrdreg s13  }
0xc: {  	s1 =	simm.s32 $0x5;
	s15 =	sadd.s32 $0x4000, s5;
	[dreg:$0x7] =	wrdreg s14  }
0xd: {  	s0 =	sadd.s32 s3, s0;
	s16 =	sadd.s32 $0x5000, s5;
	[dreg:$0x8] =	wrdreg s15  }
0xe: {  	s3 =	ssub.s32 s10, s8;
	s17 =	sadd.s32 $0x6000, s5;
	[dreg:$0x9] =	wrdreg s16  }
0xf: {  	s18 =	sadd.s32 $0x7000, s5;
	s19 =	sadd.s32 $0x8000, s5;
	[dreg:$0xa] =	wrdreg s17  }
0x10: {  	s20 =	sadd.s32 $0x9000, s5;
	s21 =	sadd.s32 $0xA000, s5;
	[dreg:$0xb] =	wrdreg s18  }
0x11: {  	s22 =	sadd.s32 $0xB000, s5;
	s24 =	sadd.s32 $0xC000, s5;
	[dreg:$0xc] =	wrdreg s19  }
0x12: {  	s25 =	sadd.s32 $0xD000, s5;
	s26 =	sadd.s32 $0x280, s23;
	[dreg:$0xd] =	wrdreg s20  }
0x13: {  	s28 =	sadd.s32 $0x10000, s5;
	s29 =	sadd.s32 $0x11000, s5;
	[dreg:$0xe] =	wrdreg s21  }
0x14: {  	s30 =	sadd.s32 $0x12000, s5;
	s31 =	sadd.s32 $0x13000, s5;
	[dreg:$0xf] =	wrdreg s22  }
0x15: {  	s8 =	simm.s32 $0x1480;
	s10 =	simm.s32 $0x1;
	[dreg:$0x10] =	wrdreg s24  }
0x16: {  	s0 =	sadd.s32 $0x3CE00, s0;
	s11 =	smax.u32 s3, $0x1;
	[dreg:$0x11] =	wrdreg s25  }
0x17: {  	s21 =	sadd.s32 s6, s23;
	s22 =	sadd.s32 s7, s23;
	s23 =	sadd.s32 s6, s26  }
0x18: {  	s24 =	sadd.s32 s7, s26;
	s25 =	sadd.s32 $0xE000, s5;
	s26 =	sadd.s32 $0xF000, s5  }
0x19: {  	s3 =	simm.s32 $0x6;
	s6 =	simm.s32 $0x1400;
	s7 =	simm.s32 $0x80  }
0x1a: {  	s12 =	simm.s32 $0x2;
	s13 =	simm.s32 $0x4;
	s14 =	simm.s32 $0x1300  }
0x1b: {  	s15 =	simm.s32 $0x1380;
	s16 =	simm.s32 $0x0;
	[dreg:$0x3] =	wrdreg s0  }
0x1c: {  	v0 =	vimm.f32 $0.0e+00;
	[dreg:$0x4] =	wrdreg s11;
	s0 =	simm.s32 $0x2800;
	s11 =	simm.s32 $0x3  }
.LBB2_1:
0x1d: {  	s18 =	simm.s32 $0x0  }
0x1e: {  	s17 =	sand.u32 $0x3E00, s18  }
0x1f: {  	s18 =	sand.u32 $0x70, s18;
	s19 =	sshrl.u32 s17, $0x2  }
0x20: {  	s17 =	simm.s32 $0x40;
	s19 =	sor.u32 s18, s19;
	s18 =	simm.s32 $0x0  }
.LBB2_2:
0x21: {  	p0 =	sne.s32 s17, $0x3FC0  }
0x22: {  	[tilespmem:s19+$0x2800] =	vst v0;
	s18 =	sadd.s32 $0x10, s18;
	s19 =	smov.u32 s17;
	s17 =	sadd.s32 $0x40, s17  }
.Ltmp0:
0x23: {  	(pc) =	sbr.rel @p0 .LBB2_2-.Ltmp0, $4  }
0x24: {  	_ = 	snop  }
0x25: {  	s19 =	sand.u32 $0x3E00, s19  }
0x26: {  	s20 =	sand.u32 $0x70, s18;
	s19 =	sshrl.u32 s19, $0x2  }
0x27: {  	s19 =	sor.u32 s20, s19  }
0x28: {  	[tilespmem:s19+$0x2800] =	vst v0  }
0x29: {  	[spmem:s5] =	stream.linear.scatter [tilespmem:s0], [sflag:$0x5], $0x1000, $0x38;
	[tilespmem:$0x1E800] =	vst v63  }
0x2a: {  	s17 =	rddreg [dreg:$0x5]  }
0x2b: {  	[spmem:s17] =	stream.linear.scatter [tilespmem:s0], [sflag:$0x5], $0x1000, $0x38;
	[tilespmem:$0x1E800] =	vst v63  }
0x2c: {  	s20 =	rddreg [dreg:$0x6]  }
0x2d: {  	[spmem:s20] =	stream.linear.scatter [tilespmem:s0], [sflag:$0x5], $0x1000, $0x38;
	[tilespmem:$0x1E800] =	vst v63  }
0x2e: {  	s18 =	rddreg [dreg:$0x7]  }
0x2f: {  	[spmem:s18] =	stream.linear.scatter [tilespmem:s0], [sflag:$0x5], $0x1000, $0x38;
	[tilespmem:$0x1E800] =	vst v63  }
0x30: {  	s19 =	rddreg [dreg:$0x8]  }
0x31: {  	[spmem:s19] =	stream.linear.scatter [tilespmem:s0], [sflag:$0x5], $0x1000, $0x38;
	[tilespmem:$0x1E800] =	vst v63  }
0x32: {  	s20 =	rddreg [dreg:$0x9]  }
0x33: {  	[spmem:s20] =	stream.linear.scatter [tilespmem:s0], [sflag:$0x5], $0x1000, $0x38;
	[tilespmem:$0x1E800] =	vst v63  }
0x34: {  	s18 =	rddreg [dreg:$0xa]  }
0x35: {  	[spmem:s18] =	stream.linear.scatter [tilespmem:s0], [sflag:$0x5], $0x1000, $0x38;
	[tilespmem:$0x1E800] =	vst v63  }
0x36: {  	s19 =	rddreg [dreg:$0xb]  }
0x37: {  	[spmem:s19] =	stream.linear.scatter [tilespmem:s0], [sflag:$0x5], $0x1000, $0x38;
	[tilespmem:$0x1E800] =	vst v63  }
0x38: {  	s20 =	rddreg [dreg:$0xc]  }
0x39: {  	[spmem:s20] =	stream.linear.scatter [tilespmem:s0], [sflag:$0x5], $0x1000, $0x38;
	[tilespmem:$0x1E800] =	vst v63  }
0x3a: {  	s18 =	rddreg [dreg:$0xd]  }
0x3b: {  	[spmem:s18] =	stream.linear.scatter [tilespmem:s0], [sflag:$0x5], $0x1000, $0x38;
	[tilespmem:$0x1E800] =	vst v63  }
0x3c: {  	s19 =	rddreg [dreg:$0xe]  }
0x3d: {  	[spmem:s19] =	stream.linear.scatter [tilespmem:s0], [sflag:$0x5], $0x1000, $0x38;
	[tilespmem:$0x1E800] =	vst v63  }
0x3e: {  	s20 =	rddreg [dreg:$0xf]  }
0x3f: {  	[spmem:s20] =	stream.linear.scatter [tilespmem:s0], [sflag:$0x5], $0x1000, $0x38;
	[tilespmem:$0x1E800] =	vst v63  }
0x40: {  	s18 =	rddreg [dreg:$0x10]  }
0x41: {  	[spmem:s18] =	stream.linear.scatter [tilespmem:s0], [sflag:$0x5], $0x1000, $0x38;
	[tilespmem:$0x1E800] =	vst v63  }
0x42: {  	s19 =	rddreg [dreg:$0x11]  }
0x43: {  	[spmem:s19] =	stream.linear.scatter [tilespmem:s0], [sflag:$0x5], $0x1000, $0x38;
	[tilespmem:$0x1E800] =	vst v63  }
0x44: {  	_ = 	snop  }
0x45: {  	[spmem:s25] =	stream.linear.scatter [tilespmem:s0], [sflag:$0x5], $0x1000, $0x38;
	[tilespmem:$0x1E800] =	vst v63  }
0x46: {  	_ = 	snop  }
0x47: {  	[spmem:s26] =	stream.linear.scatter [tilespmem:s0], [sflag:$0x5], $0x1000, $0x38;
	[tilespmem:$0x1E800] =	vst v63  }
0x48: {  	_ = 	snop  }
0x49: {  	[spmem:s28] =	stream.linear.scatter [tilespmem:s0], [sflag:$0x5], $0x1000, $0x38;
	[tilespmem:$0x1E800] =	vst v63  }
0x4a: {  	_ = 	snop  }
0x4b: {  	[spmem:s29] =	stream.linear.scatter [tilespmem:s0], [sflag:$0x5], $0x1000, $0x38;
	[tilespmem:$0x1E800] =	vst v63  }
0x4c: {  	_ = 	snop  }
0x4d: {  	[spmem:s30] =	stream.linear.scatter [tilespmem:s0], [sflag:$0x5], $0x1000, $0x38;
	[tilespmem:$0x1E800] =	vst v63  }
0x4e: {  	_ = 	snop  }
0x4f: {  	[spmem:s31] =	stream.linear.scatter [tilespmem:s0], [sflag:$0x5], $0x1000, $0x38;
	[tilespmem:$0x1E800] =	vst v63  }
0x50: {  	_ =	swait.ge [sflag:s1], $0x1000  }
0x51: {  	[sflag:s1] =	ssyncset.done $0x0  }
0x52: {  	[sflag:s1] =	ssyncadd.s32 $0xFFFFF000  }
0x53: {  	_ =	swait.ge [sflag:s1], $0x1000  }
0x54: {  	[sflag:s1] =	ssyncset.done $0x0  }
0x55: {  	[sflag:s1] =	ssyncadd.s32 $0xFFFFF000  }
0x56: {  	_ =	swait.ge [sflag:s1], $0x1000  }
0x57: {  	[sflag:s1] =	ssyncset.done $0x0  }
0x58: {  	[sflag:s1] =	ssyncadd.s32 $0xFFFFF000  }
0x59: {  	_ =	swait.ge [sflag:s1], $0x1000  }
0x5a: {  	[sflag:s1] =	ssyncset.done $0x0  }
0x5b: {  	[sflag:s1] =	ssyncadd.s32 $0xFFFFF000  }
0x5c: {  	_ =	swait.ge [sflag:s1], $0x1000  }
0x5d: {  	[sflag:s1] =	ssyncset.done $0x0  }
0x5e: {  	[sflag:s1] =	ssyncadd.s32 $0xFFFFF000  }
0x5f: {  	_ =	swait.ge [sflag:s1], $0x1000  }
0x60: {  	[sflag:s1] =	ssyncset.done $0x0  }
0x61: {  	[sflag:s1] =	ssyncadd.s32 $0xFFFFF000  }
0x62: {  	_ =	swait.ge [sflag:s1], $0x1000  }
0x63: {  	[sflag:s1] =	ssyncset.done $0x0  }
0x64: {  	[sflag:s1] =	ssyncadd.s32 $0xFFFFF000  }
0x65: {  	_ =	swait.ge [sflag:s1], $0x1000  }
0x66: {  	[sflag:s1] =	ssyncset.done $0x0  }
0x67: {  	[sflag:s1] =	ssyncadd.s32 $0xFFFFF000  }
0x68: {  	_ =	swait.ge [sflag:s1], $0x1000  }
0x69: {  	[sflag:s1] =	ssyncset.done $0x0  }
0x6a: {  	[sflag:s1] =	ssyncadd.s32 $0xFFFFF000  }
0x6b: {  	_ =	swait.ge [sflag:s1], $0x1000  }
0x6c: {  	[sflag:s1] =	ssyncset.done $0x0  }
0x6d: {  	[sflag:s1] =	ssyncadd.s32 $0xFFFFF000  }
0x6e: {  	_ =	swait.ge [sflag:s1], $0x1000  }
0x6f: {  	[sflag:s1] =	ssyncset.done $0x0  }
0x70: {  	[sflag:s1] =	ssyncadd.s32 $0xFFFFF000  }
0x71: {  	_ =	swait.ge [sflag:s1], $0x1000  }
0x72: {  	[sflag:s1] =	ssyncset.done $0x0  }
0x73: {  	[sflag:s1] =	ssyncadd.s32 $0xFFFFF000  }
0x74: {  	_ =	swait.ge [sflag:s1], $0x1000  }
0x75: {  	[sflag:s1] =	ssyncset.done $0x0  }
0x76: {  	[sflag:s1] =	ssyncadd.s32 $0xFFFFF000  }
0x77: {  	_ =	swait.ge [sflag:s1], $0x1000  }
0x78: {  	[sflag:s1] =	ssyncset.done $0x0  }
0x79: {  	[sflag:s1] =	ssyncadd.s32 $0xFFFFF000  }
0x7a: {  	_ =	swait.ge [sflag:s1], $0x1000  }
0x7b: {  	[sflag:s1] =	ssyncset.done $0x0  }
0x7c: {  	[sflag:s1] =	ssyncadd.s32 $0xFFFFF000  }
0x7d: {  	_ =	swait.ge [sflag:s1], $0x1000  }
0x7e: {  	[sflag:s1] =	ssyncset.done $0x0  }
0x7f: {  	[sflag:s1] =	ssyncadd.s32 $0xFFFFF000  }
0x80: {  	_ =	swait.ge [sflag:s1], $0x1000  }
0x81: {  	[sflag:s1] =	ssyncset.done $0x0  }
0x82: {  	[sflag:s1] =	ssyncadd.s32 $0xFFFFF000  }
0x83: {  	_ =	swait.ge [sflag:s1], $0x1000  }
0x84: {  	[sflag:s1] =	ssyncset.done $0x0  }
0x85: {  	[sflag:s1] =	ssyncadd.s32 $0xFFFFF000  }
0x86: {  	_ =	swait.ge [sflag:s1], $0x1000  }
0x87: {  	[sflag:s1] =	ssyncset.done $0x0  }
0x88: {  	[sflag:s1] =	ssyncadd.s32 $0xFFFFF000  }
0x89: {  	_ =	swait.ge [sflag:s1], $0x1000  }
0x8a: {  	[sflag:s1] =	ssyncset.done $0x0  }
0x8b: {  	[sflag:s1] =	ssyncadd.s32 $0xFFFFF000  }
0x8c: {  	s20 =	simm.s32 $0x0;
	[bflag:$0x0] =	sbarrier.arrive $0xFFFF  }
0x8d: {  	[tilespmem:s20], [sflag:$0x6] =	stream.linear.gather [hbm4b:s21+s20], $0x1400, $0x38;
	[tilespmem:$0x1E800] =	vst v63  }
0x8e: {  	_ =	swait.ge [sflag:s3], $0x1400  }
0x8f: {  	[sflag:s3] =	ssyncset.done $0x0  }
0x90: {  	[sflag:s3] =	ssyncadd.s32 $0xFFFFEC00  }
0x91: {  	[tilespmem:s6], [sflag:$0x6] =	stream.linear.gather [hbm4b:s22+s20], $0x1400, $0x38;
	[tilespmem:$0x1E800] =	vst v63  }
0x92: {  	_ =	swait.ge [sflag:s3], $0x1400  }
0x93: {  	[sflag:s3] =	ssyncset.done $0x0  }
0x94: {  	[sflag:s3] =	ssyncadd.s32 $0xFFFFEC00  }
0x95: {  	[tilespmem:s0], [sflag:$0x1] =	stream.indirect.gather [hbm4b:s4+s7], $0x80, s6, s7, $0xb8;
	[tilespmem:$0x1E800] =	vst v63  }
0x96: {  	_ = 	snop  }
0x97: {  	[tilespmem:s9], [sflag:$0x2] =	stream.indirect.gather [hbm4b:s4+s7], $0x80, s8, s7, $0xb8;
	[tilespmem:$0x1E800] =	vst v63  }
0x98: {  	_ =	swait.ge [sflag:s10], $0x4000  }
0x99: {  	[sflag:s10] =	ssyncset.done $0x0  }
0x9a: {  	s18 =	simm.s32 $0x0;
	[sflag:s10] =	ssyncadd.s32 $0xFFFFC000  }
0x9b: {  	[spmem:s2] =	stream.indirect.scatter.add.f32 [tilespmem:s0], [sflag:$0x3], $0x80, s18, s7, $0xb8;
	[tilespmem:$0x1E800] =	vst v63  }
0x9c: {  	_ =	swait.ge [sflag:s11], $0x4000  }
0x9d: {  	[sflag:s11] =	ssyncset.done $0x0  }
0x9e: {  	s19 =	simm.s32 $0x1500;
	[sflag:s11] =	ssyncadd.s32 $0xFFFFC000  }
0x9f: {  	[tilespmem:s0], [sflag:$0x1] =	stream.indirect.gather [hbm4b:s4+s7], $0x80, s19, s7, $0xb8;
	[tilespmem:$0x1E800] =	vst v63  }
0xa0: {  	_ =	swait.ge [sflag:s12], $0x4000  }
0xa1: {  	[sflag:s12] =	ssyncset.done $0x0  }
0xa2: {  	s20 =	simm.s32 $0x80;
	[sflag:s12] =	ssyncadd.s32 $0xFFFFC000  }
0xa3: {  	[spmem:s2] =	stream.indirect.scatter.add.f32 [tilespmem:s9], [sflag:$0x4], $0x80, s20, s7, $0xb8;
	[tilespmem:$0x1E800] =	vst v63  }
0xa4: {  	_ =	swait.ge [sflag:s13], $0x4000  }
0xa5: {  	[sflag:s13] =	ssyncset.done $0x0  }
0xa6: {  	s17 =	simm.s32 $0x400;
	s18 =	simm.s32 $0x1580;
	[sflag:s13] =	ssyncadd.s32 $0xFFFFC000  }
.LBB2_4:
0xa7: {  	[tilespmem:s9], [sflag:$0x2] =	stream.indirect.gather [hbm4b:s4+s7], $0x80, s18, s7, $0xb8;
	[tilespmem:$0x1E800] =	vst v63  }
0xa8: {  	s18 =	smov.u32 s17  }
0xa9: {  	p0 =	sne.s32 s17, $0x4800;
	s17 =	sadd.s32 $0x400, s17;
	_ =	swait.ge [sflag:s10], $0x4000  }
0xaa: {  	[sflag:s10] =	ssyncset.done $0x0  }
0xab: {  	s18 =	sshra.s32 s18, $0x2;
	[sflag:s10] =	ssyncadd.s32 $0xFFFFC000  }
0xac: {  	[spmem:s2] =	stream.indirect.scatter.add.f32 [tilespmem:s0], [sflag:$0x3], $0x80, s18, s7, $0xb8;
	[tilespmem:$0x1E800] =	vst v63  }
0xad: {  	_ =	swait.ge [sflag:s11], $0x4000  }
0xae: {  	[sflag:s11] =	ssyncset.done $0x0  }
0xaf: {  	s19 =	sadd.s32 $0x1500, s18;
	[sflag:s11] =	ssyncadd.s32 $0xFFFFC000  }
0xb0: {  	[tilespmem:s0], [sflag:$0x1] =	stream.indirect.gather [hbm4b:s4+s7], $0x80, s19, s7, $0xb8;
	[tilespmem:$0x1E800] =	vst v63  }
0xb1: {  	_ =	swait.ge [sflag:s12], $0x4000  }
0xb2: {  	[sflag:s12] =	ssyncset.done $0x0  }
.Ltmp1:
0xb3: {  	s19 =	sadd.s32 $0x80, s18;
	[sflag:s12] =	ssyncadd.s32 $0xFFFFC000;
	(pc) =	sbr.rel @p0 .LBB2_4-.Ltmp1, $4  }
0xb4: {  	[spmem:s2] =	stream.indirect.scatter.add.f32 [tilespmem:s9], [sflag:$0x4], $0x80, s19, s7, $0xb8;
	[tilespmem:$0x1E800] =	vst v63  }
0xb5: {  	_ =	swait.ge [sflag:s13], $0x4000  }
0xb6: {  	[sflag:s13] =	ssyncset.done $0x0  }
0xb7: {  	s18 =	sadd.s32 $0x1580, s18;
	[sflag:s13] =	ssyncadd.s32 $0xFFFFC000  }
0xb8: {  	[tilespmem:s9], [sflag:$0x2] =	stream.indirect.gather [hbm4b:s4+s7], $0x80, s18, s7, $0xb8;
	[tilespmem:$0x1E800] =	vst v63  }
0xb9: {  	_ =	swait.ge [sflag:s10], $0x4000  }
0xba: {  	[sflag:s10] =	ssyncset.done $0x0  }
0xbb: {  	[sflag:s10] =	ssyncadd.s32 $0xFFFFC000  }
0xbc: {  	[spmem:s2] =	stream.indirect.scatter.add.f32 [tilespmem:s0], [sflag:$0x3], $0x80, s14, s7, $0xb8;
	[tilespmem:$0x1E800] =	vst v63  }
0xbd: {  	_ =	swait.ge [sflag:s11], $0x4000  }
0xbe: {  	[sflag:s11] =	ssyncset.done $0x0  }
0xbf: {  	[sflag:s11] =	ssyncadd.s32 $0xFFFFC000  }
0xc0: {  	_ =	swait.ge [sflag:s12], $0x4000  }
0xc1: {  	[sflag:s12] =	ssyncset.done $0x0  }
0xc2: {  	[sflag:s12] =	ssyncadd.s32 $0xFFFFC000  }
0xc3: {  	[spmem:s2] =	stream.indirect.scatter.add.f32 [tilespmem:s9], [sflag:$0x4], $0x80, s15, s7, $0xb8;
	[tilespmem:$0x1E800] =	vst v63  }
0xc4: {  	_ =	swait.ge [sflag:s13], $0x4000  }
0xc5: {  	[sflag:s13] =	ssyncset.done $0x0  }
0xc6: {  	s17 =	simm.s32 $0x0;
	[sflag:s13] =	ssyncadd.s32 $0xFFFFC000  }
0xc7: {  	[tilespmem:s17], [sflag:$0x6] =	stream.linear.gather [hbm4b:s23+s17], $0x1400, $0x38;
	[tilespmem:$0x1E800] =	vst v63  }
0xc8: {  	_ =	swait.ge [sflag:s3], $0x1400  }
0xc9: {  	[sflag:s3] =	ssyncset.done $0x0  }
0xca: {  	[sflag:s3] =	ssyncadd.s32 $0xFFFFEC00  }
0xcb: {  	[tilespmem:s6], [sflag:$0x6] =	stream.linear.gather [hbm4b:s24+s17], $0x1400, $0x38;
	[tilespmem:$0x1E800] =	vst v63  }
0xcc: {  	_ =	swait.ge [sflag:s3], $0x1400  }
0xcd: {  	[sflag:s3] =	ssyncset.done $0x0  }
0xce: {  	[sflag:s3] =	ssyncadd.s32 $0xFFFFEC00  }
0xcf: {  	[tilespmem:s0], [sflag:$0x1] =	stream.indirect.gather [hbm4b:s4+s7], $0x80, s6, s7, $0xb8;
	[tilespmem:$0x1E800] =	vst v63  }
0xd0: {  	_ = 	snop  }
0xd1: {  	[tilespmem:s9], [sflag:$0x2] =	stream.indirect.gather [hbm4b:s4+s7], $0x80, s8, s7, $0xb8;
	[tilespmem:$0x1E800] =	vst v63  }
0xd2: {  	_ =	swait.ge [sflag:s10], $0x4000  }
0xd3: {  	[sflag:s10] =	ssyncset.done $0x0  }
0xd4: {  	s18 =	simm.s32 $0x0;
	[sflag:s10] =	ssyncadd.s32 $0xFFFFC000  }
0xd5: {  	[spmem:s2] =	stream.indirect.scatter.add.f32 [tilespmem:s0], [sflag:$0x3], $0x80, s18, s7, $0xb8;
	[tilespmem:$0x1E800] =	vst v63  }
0xd6: {  	_ =	swait.ge [sflag:s11], $0x4000  }
0xd7: {  	[sflag:s11] =	ssyncset.done $0x0  }
0xd8: {  	s19 =	simm.s32 $0x1500;
	[sflag:s11] =	ssyncadd.s32 $0xFFFFC000  }
0xd9: {  	[tilespmem:s0], [sflag:$0x1] =	stream.indirect.gather [hbm4b:s4+s7], $0x80, s19, s7, $0xb8;
	[tilespmem:$0x1E800] =	vst v63  }
0xda: {  	_ =	swait.ge [sflag:s12], $0x4000  }
0xdb: {  	[sflag:s12] =	ssyncset.done $0x0  }
0xdc: {  	s20 =	simm.s32 $0x80;
	[sflag:s12] =	ssyncadd.s32 $0xFFFFC000  }
0xdd: {  	[spmem:s2] =	stream.indirect.scatter.add.f32 [tilespmem:s9], [sflag:$0x4], $0x80, s20, s7, $0xb8;
	[tilespmem:$0x1E800] =	vst v63  }
0xde: {  	_ =	swait.ge [sflag:s13], $0x4000  }
0xdf: {  	[sflag:s13] =	ssyncset.done $0x0  }
0xe0: {  	s17 =	simm.s32 $0x400;
	s18 =	simm.s32 $0x1580;
	[sflag:s13] =	ssyncadd.s32 $0xFFFFC000  }
.LBB2_6:
0xe1: {  	[tilespmem:s9], [sflag:$0x2] =	stream.indirect.gather [hbm4b:s4+s7], $0x80, s18, s7, $0xb8;
	[tilespmem:$0x1E800] =	vst v63  }
0xe2: {  	s18 =	smov.u32 s17  }
0xe3: {  	p0 =	sne.s32 s17, $0x4800;
	s17 =	sadd.s32 $0x400, s17;
	_ =	swait.ge [sflag:s10], $0x4000  }
0xe4: {  	[sflag:s10] =	ssyncset.done $0x0  }
0xe5: {  	s18 =	sshra.s32 s18, $0x2;
	[sflag:s10] =	ssyncadd.s32 $0xFFFFC000  }
0xe6: {  	[spmem:s2] =	stream.indirect.scatter.add.f32 [tilespmem:s0], [sflag:$0x3], $0x80, s18, s7, $0xb8;
	[tilespmem:$0x1E800] =	vst v63  }
0xe7: {  	_ =	swait.ge [sflag:s11], $0x4000  }
0xe8: {  	[sflag:s11] =	ssyncset.done $0x0  }
0xe9: {  	s19 =	sadd.s32 $0x1500, s18;
	[sflag:s11] =	ssyncadd.s32 $0xFFFFC000  }
0xea: {  	[tilespmem:s0], [sflag:$0x1] =	stream.indirect.gather [hbm4b:s4+s7], $0x80, s19, s7, $0xb8;
	[tilespmem:$0x1E800] =	vst v63  }
0xeb: {  	_ =	swait.ge [sflag:s12], $0x4000  }
0xec: {  	[sflag:s12] =	ssyncset.done $0x0  }
.Ltmp2:
0xed: {  	s19 =	sadd.s32 $0x80, s18;
	[sflag:s12] =	ssyncadd.s32 $0xFFFFC000;
	(pc) =	sbr.rel @p0 .LBB2_6-.Ltmp2, $4  }
0xee: {  	[spmem:s2] =	stream.indirect.scatter.add.f32 [tilespmem:s9], [sflag:$0x4], $0x80, s19, s7, $0xb8;
	[tilespmem:$0x1E800] =	vst v63  }
0xef: {  	_ =	swait.ge [sflag:s13], $0x4000  }
0xf0: {  	[sflag:s13] =	ssyncset.done $0x0  }
0xf1: {  	s18 =	sadd.s32 $0x1580, s18;
	[sflag:s13] =	ssyncadd.s32 $0xFFFFC000  }
0xf2: {  	[tilespmem:s9], [sflag:$0x2] =	stream.indirect.gather [hbm4b:s4+s7], $0x80, s18, s7, $0xb8;
	[tilespmem:$0x1E800] =	vst v63  }
0xf3: {  	_ =	swait.ge [sflag:s10], $0x4000  }
0xf4: {  	[sflag:s10] =	ssyncset.done $0x0  }
0xf5: {  	[sflag:s10] =	ssyncadd.s32 $0xFFFFC000  }
0xf6: {  	[spmem:s2] =	stream.indirect.scatter.add.f32 [tilespmem:s0], [sflag:$0x3], $0x80, s14, s7, $0xb8;
	[tilespmem:$0x1E800] =	vst v63  }
0xf7: {  	_ =	swait.ge [sflag:s11], $0x4000  }
0xf8: {  	[sflag:s11] =	ssyncset.done $0x0  }
0xf9: {  	[sflag:s11] =	ssyncadd.s32 $0xFFFFC000  }
0xfa: {  	_ =	swait.ge [sflag:s12], $0x4000  }
0xfb: {  	[sflag:s12] =	ssyncset.done $0x0  }
0xfc: {  	[sflag:s12] =	ssyncadd.s32 $0xFFFFC000  }
0xfd: {  	[spmem:s2] =	stream.indirect.scatter.add.f32 [tilespmem:s9], [sflag:$0x4], $0x80, s15, s7, $0xb8;
	[tilespmem:$0x1E800] =	vst v63  }
0xfe: {  	_ =	swait.ge [sflag:s13], $0x4000  }
0xff: {  	[sflag:s13] =	ssyncset.done $0x0  }
0x100: {  	s17 =	stileid.u32;
	[sflag:s13] =	ssyncadd.s32 $0xFFFFC000  }
0x101: {  	s17 =	sshll.u32 s17, $0x6;
	[bflag:$0x0] =	sbarrier.arrive $0xFFFF  }
0x102: {  	s20 =	sshrl.u32 s5, $0x3;
	s17 =	sor.u32 $0x1C06, s17;
	s19 =	rddreg [dreg:$0x3]  }
0x103: {  	[hbm:s19], [sflag:s17] =	dma.local [spmem:s20], $0x2800  }
0x104: {  	_ =	swait.ge [sflag:s3], $0x2800  }
0x105: {  	s16 =	sadd.s32 $0x1, s16;
	s20 =	rddreg [dreg:$0x4]  }
0x106: {  	p0 =	sne.s32 s16, s20  }
.Ltmp3:
0x107: {  	_ = 	snop;
	(pc) =	sbr.rel @p0 .LBB2_1-.Ltmp3, $3  }
0x108: {  	_ =	sdelay $0x1  }
0x109: {  	[sflag:s3] =	ssyncset.done $0x0  }
0x10a: {  	[sflag:s3] =	ssyncadd.s32 $0xFFFFD800  }
0x10b: {  	_ =	sfence.sel $0x180000  }
0x10c: {  	[bflag:$0x0] =	sbarrier.arrive $0xFFFF  }
0x10d: {  	_ =	strace $0x90000047  }
0x10e: {  	s0 =	stileid.u32;
	[bflag:$0x2] =	sbarrier.arrive $0xFFFF  }
0x10f: {  	p0 =	sne.s32 s0, $0x0;
	s0 =	rddreg [dreg:$0x2]  }
0x110: {  	s0 =	sadd.s32 @!p0 $0x100000, s0  }
0x111: {  	[sflag:s0] =	ssyncadd.tile.s32 @!p0 $0x1;
	_ =	shalt  }
.Lfunc_end2:
_tile_overlayer_lowered:
.L_overlay_start_2:
0x112: {  	(tag) =	ssettag $0x2  }
0x113: {  	s0 =	rddreg [dreg:$0x0];
	s2 =	stileid.u32  }
0x114: {  	s1 =	rddreg [dreg:$0x1];
	p0 =	sne.s32 s2, $0x0  }
0x115: {  	s3 =	rddreg [dreg:$0x2];
	[bflag:$0x3] =	sbarrier.arrive $0xFFFF;
	s2 =	simm.s32 @!p0 $0x1C06  }
0x116: {  	[timem:s3], [sflag:s2] =	dma.local @!p0 [hbm:s0], s1  }
0x117: {  	s0 =	simm.s32 @!p0 $0x6  }
0x118: {  	_ =	swait.ge @!p0 [sflag:s0], s1  }
0x119: {  	s1 =	ssub.s32 @!p0 $0x0, s1;
	[sflag:s0] =	ssyncset.done @!p0 $0x0  }
0x11a: {  	[sflag:s0] =	ssyncadd.s32 @!p0 s1  }
0x11b: {  	[bflag:$0x3] =	sbarrier.arrive $0xFFFF  }
0x11c: {  	_ =	shalt  }

</sc_bundles>
